<compile_context>
chip_gen: v7x
topology: tpu7x:2x2x1
jax: 0.10.2.dev20260603
libtpu: 0.0.44.dev20260713+nightly
codegen_flags: <defaults>
</compile_context>

<pallas_src>
import functools

import jax
import jax.numpy as jnp
from jax import lax
from jax.experimental import pallas as pl
from jax.experimental.pallas import tpu as pltpu
from jax.experimental.pallas import tpu_sc as plsc

NSUB = 32
LANES = 16
CH = 3200


def _round_up(v, m):
    return (v + m - 1) // m * m


def _make_encoder(NPAD, F, H):
    def body(x_ref, w_ref, b_ref, out_ref):
        xb = x_ref[...]
        w = w_ref[...]
        out_ref[...] = (
            lax.dot_general(w, xb, (((1,), (1,)), ((), ())),
                            preferred_element_type=jnp.float32)
            + b_ref[...]
        )

    return pl.pallas_call(
        body,
        out_shape=jax.ShapeDtypeStruct((H, NPAD), jnp.float32),
    )


def _make_mlp(NPAD, H):
    def body(h_ref, agg_ref, w_ref, b_ref, out_ref):
        s = h_ref[...] + agg_ref[...]
        out_ref[...] = (
            lax.dot_general(w_ref[...], s, (((1,), (0,)), ((), ())),
                            preferred_element_type=jnp.float32)
            + b_ref[...]
        )

    return pl.pallas_call(
        body,
        out_shape=jax.ShapeDtypeStruct((H, NPAD), jnp.float32),
    )


def _make_decoder(NPAD, H, C):
    def body(h_ref, w0_ref, b0_ref, w1_ref, b1_ref, o0_ref, o1_ref):
        h = h_ref[...]
        for w_ref, b_ref, o_ref in ((w0_ref, b0_ref, o0_ref),
                                    (w1_ref, b1_ref, o1_ref)):
            logits = lax.dot_general(
                w_ref[...], h, (((1,), (0,)), ((), ())),
                preferred_element_type=jnp.float32) + b_ref[...]
            m = jnp.max(logits, axis=0, keepdims=True)
            e = jnp.exp(logits - m)
            s = jnp.sum(e, axis=0, keepdims=True)
            o_ref[...] = logits - m - jnp.log(s)

    return pl.pallas_call(
        body,
        out_shape=(jax.ShapeDtypeStruct((C, NPAD), jnp.float32),
                   jax.ShapeDtypeStruct((C, NPAD), jnp.float32)),
    )


def _make_segmax(NPAD, H, E_pad):
    FPT = H // NSUB
    PPT = FPT // 2
    nchunk = E_pad // CH
    nbatch = CH // LANES
    ncnt = NPAD // LANES
    ndirty = _round_up(nbatch, LANES) + LANES

    mesh = plsc.VectorSubcoreMesh(core_axis_name="c", subcore_axis_name="s")

    @functools.partial(
        pl.kernel,
        out_type=jax.ShapeDtypeStruct((H, NPAD), jnp.float32),
        mesh=mesh,
        compiler_params=pltpu.CompilerParams(
            needs_layout_passes=False, use_tc_tiling_on_sc=False),
        scratch_types=[
            [pltpu.VMEM((NPAD,), jnp.float32) for _ in range(FPT)],
            [pltpu.VMEM((NPAD,), jnp.int32) for _ in range(PPT)],
            [pltpu.VMEM((NPAD,), jnp.int32) for _ in range(PPT)],
            pltpu.VMEM((2, 2, CH), jnp.int32),
            [pltpu.VMEM((NPAD,), jnp.int32) for _ in range(2)],
            pltpu.VMEM((ndirty,), jnp.int32),
            pltpu.SemaphoreType.DMA,
            pltpu.SemaphoreType.DMA,
        ],
    )
    def segmax(hT, edges, aggT, fbufs, hbufs, abufs, eb, tmps, dirty,
               semA, semB):
        c = lax.axis_index("c")
        s = lax.axis_index("s")
        wid = s * 2 + c
        fbase = wid * FPT
        sems = (semA, semB)

        for k in range(FPT):
            pltpu.make_async_copy(hT.at[fbase + k], fbufs[k], semA).start()

        zeros16i = jnp.zeros((LANES,), jnp.int32)

        def init_dirty(i, carry):
            dirty[pl.ds(i * LANES, LANES)] = zeros16i
            return carry

        lax.fori_loop(0, ndirty // LANES, init_dirty, 0)

        for k in range(FPT):
            pltpu.make_async_copy(hT.at[fbase + k], fbufs[k], semA).wait()

        ninf = jnp.full((LANES,), -jnp.inf, jnp.float32)
        neg2 = plsc.bitcast(
            plsc.pack(ninf, ninf, format=plsc.PackFormat.INTERLEAVED),
            jnp.int32)

        def pack_init(i, carry):
            sl = pl.ds(i * LANES, LANES)
            for p in range(PPT):
                packed = plsc.pack(fbufs[2 * p][sl], fbufs[2 * p + 1][sl],
                                   format=plsc.PackFormat.INTERLEAVED)
                hbufs[p][sl] = plsc.bitcast(packed, jnp.int32)
                abufs[p][sl] = neg2
            return carry

        lax.fori_loop(0, ncnt, pack_init, 0)

        def start(b, ci):
            off = ci * CH
            pltpu.make_async_copy(edges.at[0, pl.ds(off, CH)],
                                  eb.at[b, 0], sems[b]).start()
            pltpu.make_async_copy(edges.at[1, pl.ds(off, CH)],
                                  eb.at[b, 1], sems[b]).start()

        def wait(b):
            pltpu.make_async_copy(edges.at[0, pl.ds(0, CH)],
                                  eb.at[b, 0], sems[b]).wait()
            pltpu.make_async_copy(edges.at[1, pl.ds(0, CH)],
                                  eb.at[b, 1], sems[b]).wait()

        lane = lax.iota(jnp.int32, LANES)
        lane0 = lane == 0

        def bmax(a_i32, b_i32):
            a = plsc.bitcast(a_i32, jnp.bfloat16)
            b = plsc.bitcast(b_i32, jnp.bfloat16)
            return plsc.bitcast(jnp.maximum(a, b), jnp.int32)

        def apply_round(dstv, msgs, w):
            curs = [plsc.load_gather(abufs[p], [dstv]) for p in range(PPT)]
            news = [bmax(curs[p], msgs[p]) for p in range(PPT)]
            for p in range(PPT):
                plsc.store_scatter(abufs[p], [dstv], news[p], mask=w)

        def load_batch(b, base):
            srcv = eb[b, 0, pl.ds(base, LANES)]
            dstv = eb[b, 1, pl.ds(base, LANES)]
            msgs = [plsc.load_gather(hbufs[p], [srcv]) for p in range(PPT)]
            return dstv, msgs

        npair = nbatch // 2
        zl = jnp.zeros((LANES,), jnp.int32)

        def fetch_pair(b, u):
            out = []
            for half in range(2):
                t = u * 2 + half
                dstv, msgs = load_batch(b, t * LANES)
                plsc.store_scatter(tmps[half], [dstv], lane)
                got = plsc.load_gather(tmps[half], [dstv])
                w = got == lane
                nlost = plsc.all_reduce_population_count(jnp.logical_not(w))
                plsc.store_scatter(dirty, [zl + t], nlost, mask=lane0)
                out += [dstv, w, *msgs]
            return tuple(out)

        def process(b):
            def pair_body(u, carry):
                (dstA, wA, mA0, mA1,
                 dstB, wB, mB0, mB1) = carry
                un = jnp.minimum(u + 1, npair - 1)
                tA = un * 2
                tB = tA + 1
                sA = eb[b, 0, pl.ds(tA * LANES, LANES)]
                dA = eb[b, 1, pl.ds(tA * LANES, LANES)]
                sB = eb[b, 0, pl.ds(tB * LANES, LANES)]
                dB = eb[b, 1, pl.ds(tB * LANES, LANES)]
                plsc.store_scatter(tmps[0], [dA], lane)
                plsc.store_scatter(tmps[1], [dB], lane)
                nA = [plsc.load_gather(hbufs[p], [sA]) for p in range(PPT)]
                nB = [plsc.load_gather(hbufs[p], [sB]) for p in range(PPT)]
                gA = plsc.load_gather(tmps[0], [dA])
                gB = plsc.load_gather(tmps[1], [dB])
                apply_round(dstA, [mA0, mA1], wA)
                nwA = gA == lane
                nwB = gB == lane
                nlA = plsc.all_reduce_population_count(jnp.logical_not(nwA))
                nlB = plsc.all_reduce_population_count(jnp.logical_not(nwB))
                plsc.store_scatter(dirty, [zl + tA], nlA, mask=lane0)
                plsc.store_scatter(dirty, [zl + tB], nlB, mask=lane0)
                apply_round(dstB, [mB0, mB1], wB)
                return (dA, nwA, *nA, dB, nwB, *nB)

            lax.fori_loop(0, npair, pair_body, fetch_pair(b, 0))

            def rerun(t):
                dstv, msgs = load_batch(b, t * LANES)
                cnt, _ = plsc.scan_count(dstv)
                cmax = jnp.max(cnt)

                def round_body(r, c2):
                    apply_round(dstv, msgs, cnt == r)
                    return c2

                lax.fori_loop(0, cmax + 1, round_body, 0)

            def scan_group(g, carry):
                dvec = dirty[pl.ds(g * LANES, LANES)]

                @pl.when(jnp.any(dvec != 0))
                def _():
                    def inner(i, c2):
                        t = g * LANES + i
                        dv = dirty[pl.ds(t, LANES)]

                        @pl.when(dv[0] != 0)
                        def _():
                            rerun(t)

                        return c2

                    lax.fori_loop(0, LANES, inner, 0)

                return carry

            lax.fori_loop(0, (ndirty - LANES) // LANES, scan_group, 0)

        start(0, 0)
        start(1, min(1, nchunk - 1))

        def chunk_iter(j, carry):
            for b in range(2):
                ci = j * 2 + b
                wait(b)
                process(b)

                @pl.when(ci + 2 < nchunk)
                def _():
                    start(b, ci + 2)

            return carry

        lax.fori_loop(0, nchunk // 2, chunk_iter, 0)

        zero16 = jnp.zeros((LANES,), jnp.float32)

        def finalize(i, carry):
            sl = pl.ds(i * LANES, LANES)
            for p in range(PPT):
                vbf = plsc.bitcast(abufs[p][sl], jnp.bfloat16)
                va, vb = plsc.unpack(vbf, format=plsc.PackFormat.INTERLEAVED)
                fbufs[2 * p][sl] = jnp.where(va == -jnp.inf, zero16, va)
                fbufs[2 * p + 1][sl] = jnp.where(vb == -jnp.inf, zero16, vb)
            return carry

        lax.fori_loop(0, ncnt, finalize, 0)

        for k in range(FPT):
            pltpu.sync_copy(fbufs[k], aggT.at[fbase + k])

    return segmax


def kernel(x, edge_index, diameter, enc_W, enc_b, proc_W, proc_b, dec_W, dec_b):
    N, F = x.shape
    H = enc_W.shape[0]
    P, C = dec_b.shape
    E = edge_index.shape[1]

    NPAD = _round_up(N, LANES)
    E_pad = _round_up(E, 2 * CH)
    if NPAD == N and E_pad != E:
        NPAD += LANES
    x_p = jnp.pad(x, ((0, NPAD - N), (0, 0))) if NPAD != N else x
    if E_pad != E:
        pad = jnp.concatenate(
            [jnp.zeros((1, E_pad - E), jnp.int32),
             jnp.full((1, E_pad - E), N, jnp.int32)], axis=0)
        edges = jnp.concatenate([edge_index, pad], axis=1)
    else:
        edges = edge_index

    encoder = _make_encoder(NPAD, F, H)
    mlp = _make_mlp(NPAD, H)
    segmax = _make_segmax(NPAD, H, E_pad)
    decoder = _make_decoder(NPAD, H, C)

    hT = encoder(x_p, enc_W, enc_b[:, None])

    def body(_, hT):
        aggT = segmax(hT, edges)
        return mlp(hT, aggT, proc_W, proc_b[:, None])

    hT = lax.fori_loop(0, diameter, body, hT)

    o0, o1 = decoder(hT, dec_W[0], dec_b[0][:, None], dec_W[1], dec_b[1][:, None])
    return (o0.T[:N], o1.T[:N])

# --- scband reference (transcript-rebuilt; emitter-appended) ---
"""Pipeline reference for scband-gin-28123445854594 (READ-ONLY COPY).

The authoritative reference and input builder live on the scoring server;
editing this copy changes nothing except your own understanding.
"""

import jax, jax.numpy as jnp
import numpy as np

N = 10000
E = 320000
F = 128
H = 128
C = 10
P = 2

def setup_inputs(seed: int = 0) -> dict:
    key = jax.random.key(seed)
    ks = jax.random.split(key, 8)
    inp = {}
    inp["x"] = jax.random.normal(ks[0], (N, F), dtype=jnp.float32)
    inp["edge_index"] = jax.random.randint(ks[1], (2, E), 0, N, dtype=jnp.int32)
    inp["diameter"] = 3
    # encoder: Linear(num_features, num_hidden)
    inp["enc_W"] = jax.random.normal(ks[2], (H, F), dtype=jnp.float32) * 0.05
    inp["enc_b"] = jnp.zeros((H,), dtype=jnp.float32)
    # GINConv nn: Sequential(Linear(dim, dim)), eps=0 (train_eps=False default)
    inp["proc_W"] = jax.random.normal(ks[3], (H, H), dtype=jnp.float32) * 0.05
    inp["proc_b"] = jnp.zeros((H,), dtype=jnp.float32)
    # decoders: num_predictions x Linear(num_hidden, num_classes)
    inp["dec_W"] = jax.random.normal(ks[4], (P, C, H), dtype=jnp.float32) * 0.05
    inp["dec_b"] = jnp.zeros((P, C), dtype=jnp.float32)
    return inp

def reference(x, edge_index, diameter, enc_W, enc_b, proc_W, proc_b, dec_W, dec_b):
    # single-graph version of GIN.forward (data.to_data_list() with one graph)
    h = x @ enc_W.T + enc_b
    src = edge_index[0]
    dst = edge_index[1]
    eps = 0.0
    def body(_, h):
        # GINConv with aggr='max': out = nn((1+eps)*x + max_{j in N(i)} x_j)
        msgs = jnp.take(h, src, axis=0)
        agg = jax.ops.segment_max(msgs, dst, num_segments=N)
        # PyG/torch_scatter max aggregation fills empty segments with 0
        agg = jnp.where(jnp.isfinite(agg), agg, 0.0)
        return ((1.0 + eps) * h + agg) @ proc_W.T + proc_b
    h = jax.lax.fori_loop(0, diameter, body, h)
    preds = []
    for p in range(P):
        logits = h @ dec_W[p].T + dec_b[p]
        preds.append(jax.nn.log_softmax(logits, axis=-1))
    return tuple(preds)

if __name__ == "__main__":
    import jax
    _d = setup_inputs()
    print(jax.jit(kernel)(*tuple(_d.values())))

</pallas_src>

<mosaic_0001>
#map = affine_map<(d0, d1) -> (0, 0)>
module attributes {stable_mosaic.version = 14 : i64} {
  func.func @segmax(%arg0: i32, %arg1: i32, %arg2: memref<128x10000xf32, #tpu.memory_space<hbm>>, %arg3: memref<2x320000xi32, #tpu.memory_space<hbm>>, %arg4: memref<128x10000xf32, #tpu.memory_space<hbm>>, %arg5: memref<10000xf32, #tpu.memory_space<vmem>>, %arg6: memref<10000xf32, #tpu.memory_space<vmem>>, %arg7: memref<10000xf32, #tpu.memory_space<vmem>>, %arg8: memref<10000xf32, #tpu.memory_space<vmem>>, %arg9: memref<10000xi32, #tpu.memory_space<vmem>>, %arg10: memref<10000xi32, #tpu.memory_space<vmem>>, %arg11: memref<10000xi32, #tpu.memory_space<vmem>>, %arg12: memref<10000xi32, #tpu.memory_space<vmem>>, %arg13: memref<2x2x3200xi32, #tpu.memory_space<vmem>>, %arg14: memref<10000xi32, #tpu.memory_space<vmem>>, %arg15: memref<10000xi32, #tpu.memory_space<vmem>>, %arg16: memref<224xi32, #tpu.memory_space<vmem>>, %arg17: memref<!tpu.dma_semaphore, #tpu.memory_space<semaphore_mem>>, %arg18: memref<!tpu.dma_semaphore, #tpu.memory_space<semaphore_mem>>) attributes {dimension_semantics = [#tpu.dimension_semantics<core_parallel>, #tpu.dimension_semantics<subcore_parallel>], iteration_bounds = array<i64: 2, 16>, scalar_prefetch = 0 : i64, scratch_operands = 14 : i64, tpu.core_type = #tpu.core_type<sc_vector_subcore>, window_params = [{transform_indices = #map}, {transform_indices = #map}, {transform_indices = #map}]} {
    %mul3A = arith.constant 2 : i32
    %mul3A_0 = arith.muli %arg1, %mul3A : i32
    %add3A = arith.addi %mul3A_0, %arg0 : i32
    %mul3A_1 = arith.constant 4 : i32
    %mul3A_2 = arith.muli %add3A, %mul3A_1 : i32
    %add3A_3 = arith.constant 0 : i32
    %add3A_4 = arith.addi %mul3A_2, %add3A_3 : i32
    %dma_start3A = arith.constant 0 : i32
    %dma_start3A_5 = tpu.memref_slice %arg2[%add3A_4, %dma_start3A] : memref<128x10000xf32, #tpu.memory_space<hbm>> -> memref<1x10000xf32, #tpu.memory_space<hbm>>
    %dma_start3A_6 = tpu.memref_squeeze %dma_start3A_5 : memref<1x10000xf32, #tpu.memory_space<hbm>> -> memref<10000xf32, #tpu.memory_space<hbm>>
    %dma_start3A_7 = arith.constant 0 : i32
    %dma_start3A_8 = tpu.memref_slice %arg2[%add3A_4, %dma_start3A_7] : memref<128x10000xf32, #tpu.memory_space<hbm>> -> memref<1x10000xf32, #tpu.memory_space<hbm>>
    %dma_start3A_9 = tpu.memref_squeeze %dma_start3A_8 : memref<1x10000xf32, #tpu.memory_space<hbm>> -> memref<10000xf32, #tpu.memory_space<hbm>>
    tpu.enqueue_dma source(%dma_start3A_9 : memref<10000xf32, #tpu.memory_space<hbm>>) target(%arg5 : memref<10000xf32, #tpu.memory_space<vmem>>) target_semaphore(%arg17 : memref<!tpu.dma_semaphore, #tpu.memory_space<semaphore_mem>>)
    %add3A_10 = arith.constant 1 : i32
    %add3A_11 = arith.addi %mul3A_2, %add3A_10 : i32
    %dma_start3A_12 = arith.constant 0 : i32
    %dma_start3A_13 = tpu.memref_slice %arg2[%add3A_11, %dma_start3A_12] : memref<128x10000xf32, #tpu.memory_space<hbm>> -> memref<1x10000xf32, #tpu.memory_space<hbm>>
    %dma_start3A_14 = tpu.memref_squeeze %dma_start3A_13 : memref<1x10000xf32, #tpu.memory_space<hbm>> -> memref<10000xf32, #tpu.memory_space<hbm>>
    %dma_start3A_15 = arith.constant 0 : i32
    %dma_start3A_16 = tpu.memref_slice %arg2[%add3A_11, %dma_start3A_15] : memref<128x10000xf32, #tpu.memory_space<hbm>> -> memref<1x10000xf32, #tpu.memory_space<hbm>>
    %dma_start3A_17 = tpu.memref_squeeze %dma_start3A_16 : memref<1x10000xf32, #tpu.memory_space<hbm>> -> memref<10000xf32, #tpu.memory_space<hbm>>
    tpu.enqueue_dma source(%dma_start3A_17 : memref<10000xf32, #tpu.memory_space<hbm>>) target(%arg6 : memref<10000xf32, #tpu.memory_space<vmem>>) target_semaphore(%arg17 : memref<!tpu.dma_semaphore, #tpu.memory_space<semaphore_mem>>)
    %add3A_18 = arith.constant 2 : i32
    %add3A_19 = arith.addi %mul3A_2, %add3A_18 : i32
    %dma_start3A_20 = arith.constant 0 : i32
    %dma_start3A_21 = tpu.memref_slice %arg2[%add3A_19, %dma_start3A_20] : memref<128x10000xf32, #tpu.memory_space<hbm>> -> memref<1x10000xf32, #tpu.memory_space<hbm>>
    %dma_start3A_22 = tpu.memref_squeeze %dma_start3A_21 : memref<1x10000xf32, #tpu.memory_space<hbm>> -> memref<10000xf32, #tpu.memory_space<hbm>>
    %dma_start3A_23 = arith.constant 0 : i32
    %dma_start3A_24 = tpu.memref_slice %arg2[%add3A_19, %dma_start3A_23] : memref<128x10000xf32, #tpu.memory_space<hbm>> -> memref<1x10000xf32, #tpu.memory_space<hbm>>
    %dma_start3A_25 = tpu.memref_squeeze %dma_start3A_24 : memref<1x10000xf32, #tpu.memory_space<hbm>> -> memref<10000xf32, #tpu.memory_space<hbm>>
    tpu.enqueue_dma source(%dma_start3A_25 : memref<10000xf32, #tpu.memory_space<hbm>>) target(%arg7 : memref<10000xf32, #tpu.memory_space<vmem>>) target_semaphore(%arg17 : memref<!tpu.dma_semaphore, #tpu.memory_space<semaphore_mem>>)
    %add3A_26 = arith.constant 3 : i32
    %add3A_27 = arith.addi %mul3A_2, %add3A_26 : i32
    %dma_start3A_28 = arith.constant 0 : i32
    %dma_start3A_29 = tpu.memref_slice %arg2[%add3A_27, %dma_start3A_28] : memref<128x10000xf32, #tpu.memory_space<hbm>> -> memref<1x10000xf32, #tpu.memory_space<hbm>>
    %dma_start3A_30 = tpu.memref_squeeze %dma_start3A_29 : memref<1x10000xf32, #tpu.memory_space<hbm>> -> memref<10000xf32, #tpu.memory_space<hbm>>
    %dma_start3A_31 = arith.constant 0 : i32
    %dma_start3A_32 = tpu.memref_slice %arg2[%add3A_27, %dma_start3A_31] : memref<128x10000xf32, #tpu.memory_space<hbm>> -> memref<1x10000xf32, #tpu.memory_space<hbm>>
    %dma_start3A_33 = tpu.memref_squeeze %dma_start3A_32 : memref<1x10000xf32, #tpu.memory_space<hbm>> -> memref<10000xf32, #tpu.memory_space<hbm>>
    tpu.enqueue_dma source(%dma_start3A_33 : memref<10000xf32, #tpu.memory_space<hbm>>) target(%arg8 : memref<10000xf32, #tpu.memory_space<vmem>>) target_semaphore(%arg17 : memref<!tpu.dma_semaphore, #tpu.memory_space<semaphore_mem>>)
    %broadcast_in_dim3A = arith.constant 0 : i32
    %broadcast_in_dim3A_34 = vector.broadcast %broadcast_in_dim3A : i32 to vector<16xi32>
    %scan3A = arith.constant 0 : i32
    %scan3A_35 = arith.constant 0 : i32
    %scan3A_36 = arith.constant 14 : i32
    %scan3A_37 = arith.addi %scan3A_35, %scan3A_36 : i32
    %scan3A_38 = arith.constant 1 : i32
    scf.for %scan3A_165 = %scan3A_35 to %scan3A_37 step %scan3A_38  : i32 {
      %mul3A_166 = arith.constant 16 : i32
      %mul3A_167 = arith.muli %scan3A_165, %mul3A_166 : i32
      %swap3A = arith.index_cast %mul3A_167 : i32 to index
      %swap3A_168 = tpu.vector_load %arg16[%swap3A] {strides = array<i32>} : memref<224xi32, #tpu.memory_space<vmem>>, vector<16xi32>,
      tpu.vector_store %arg16[%swap3A], %broadcast_in_dim3A_34 {strides = array<i32>} : memref<224xi32, #tpu.memory_space<vmem>>, vector<16xi32>,
    }
    %scan3A_39 = arith.constant 14 : i32
    %add3A_40 = arith.constant 0 : i32
    %add3A_41 = arith.addi %mul3A_2, %add3A_40 : i32
    %dma_wait3A = arith.constant 0 : i32
    %dma_wait3A_42 = tpu.memref_slice %arg2[%add3A_41, %dma_wait3A] : memref<128x10000xf32, #tpu.memory_space<hbm>> -> memref<1x10000xf32, #tpu.memory_space<hbm>>
    %dma_wait3A_43 = tpu.memref_squeeze %dma_wait3A_42 : memref<1x10000xf32, #tpu.memory_space<hbm>> -> memref<10000xf32, #tpu.memory_space<hbm>>
    %dma_wait3A_44 = arith.constant 0 : i32
    %dma_wait3A_45 = tpu.memref_slice %arg2[%add3A_41, %dma_wait3A_44] : memref<128x10000xf32, #tpu.memory_space<hbm>> -> memref<1x10000xf32, #tpu.memory_space<hbm>>
    %dma_wait3A_46 = tpu.memref_squeeze %dma_wait3A_45 : memref<1x10000xf32, #tpu.memory_space<hbm>> -> memref<10000xf32, #tpu.memory_space<hbm>>
    tpu.wait_dma2 semaphore(%arg17 : memref<!tpu.dma_semaphore, #tpu.memory_space<semaphore_mem>>) src(%dma_wait3A_46 : memref<10000xf32, #tpu.memory_space<hbm>>) dst(%arg5 : memref<10000xf32, #tpu.memory_space<vmem>>)
    %add3A_47 = arith.constant 1 : i32
    %add3A_48 = arith.addi %mul3A_2, %add3A_47 : i32
    %dma_wait3A_49 = arith.constant 0 : i32
    %dma_wait3A_50 = tpu.memref_slice %arg2[%add3A_48, %dma_wait3A_49] : memref<128x10000xf32, #tpu.memory_space<hbm>> -> memref<1x10000xf32, #tpu.memory_space<hbm>>
    %dma_wait3A_51 = tpu.memref_squeeze %dma_wait3A_50 : memref<1x10000xf32, #tpu.memory_space<hbm>> -> memref<10000xf32, #tpu.memory_space<hbm>>
    %dma_wait3A_52 = arith.constant 0 : i32
    %dma_wait3A_53 = tpu.memref_slice %arg2[%add3A_48, %dma_wait3A_52] : memref<128x10000xf32, #tpu.memory_space<hbm>> -> memref<1x10000xf32, #tpu.memory_space<hbm>>
    %dma_wait3A_54 = tpu.memref_squeeze %dma_wait3A_53 : memref<1x10000xf32, #tpu.memory_space<hbm>> -> memref<10000xf32, #tpu.memory_space<hbm>>
    tpu.wait_dma2 semaphore(%arg17 : memref<!tpu.dma_semaphore, #tpu.memory_space<semaphore_mem>>) src(%dma_wait3A_54 : memref<10000xf32, #tpu.memory_space<hbm>>) dst(%arg6 : memref<10000xf32, #tpu.memory_space<vmem>>)
    %add3A_55 = arith.constant 2 : i32
    %add3A_56 = arith.addi %mul3A_2, %add3A_55 : i32
    %dma_wait3A_57 = arith.constant 0 : i32
    %dma_wait3A_58 = tpu.memref_slice %arg2[%add3A_56, %dma_wait3A_57] : memref<128x10000xf32, #tpu.memory_space<hbm>> -> memref<1x10000xf32, #tpu.memory_space<hbm>>
    %dma_wait3A_59 = tpu.memref_squeeze %dma_wait3A_58 : memref<1x10000xf32, #tpu.memory_space<hbm>> -> memref<10000xf32, #tpu.memory_space<hbm>>
    %dma_wait3A_60 = arith.constant 0 : i32
    %dma_wait3A_61 = tpu.memref_slice %arg2[%add3A_56, %dma_wait3A_60] : memref<128x10000xf32, #tpu.memory_space<hbm>> -> memref<1x10000xf32, #tpu.memory_space<hbm>>
    %dma_wait3A_62 = tpu.memref_squeeze %dma_wait3A_61 : memref<1x10000xf32, #tpu.memory_space<hbm>> -> memref<10000xf32, #tpu.memory_space<hbm>>
    tpu.wait_dma2 semaphore(%arg17 : memref<!tpu.dma_semaphore, #tpu.memory_space<semaphore_mem>>) src(%dma_wait3A_62 : memref<10000xf32, #tpu.memory_space<hbm>>) dst(%arg7 : memref<10000xf32, #tpu.memory_space<vmem>>)
    %add3A_63 = arith.constant 3 : i32
    %add3A_64 = arith.addi %mul3A_2, %add3A_63 : i32
    %dma_wait3A_65 = arith.constant 0 : i32
    %dma_wait3A_66 = tpu.memref_slice %arg2[%add3A_64, %dma_wait3A_65] : memref<128x10000xf32, #tpu.memory_space<hbm>> -> memref<1x10000xf32, #tpu.memory_space<hbm>>
    %dma_wait3A_67 = tpu.memref_squeeze %dma_wait3A_66 : memref<1x10000xf32, #tpu.memory_space<hbm>> -> memref<10000xf32, #tpu.memory_space<hbm>>
    %dma_wait3A_68 = arith.constant 0 : i32
    %dma_wait3A_69 = tpu.memref_slice %arg2[%add3A_64, %dma_wait3A_68] : memref<128x10000xf32, #tpu.memory_space<hbm>> -> memref<1x10000xf32, #tpu.memory_space<hbm>>
    %dma_wait3A_70 = tpu.memref_squeeze %dma_wait3A_69 : memref<1x10000xf32, #tpu.memory_space<hbm>> -> memref<10000xf32, #tpu.memory_space<hbm>>
    tpu.wait_dma2 semaphore(%arg17 : memref<!tpu.dma_semaphore, #tpu.memory_space<semaphore_mem>>) src(%dma_wait3A_70 : memref<10000xf32, #tpu.memory_space<hbm>>) dst(%arg8 : memref<10000xf32, #tpu.memory_space<vmem>>)
    %broadcast_in_dim3A_71 = arith.constant 0xFF800000 : f32
    %broadcast_in_dim3A_72 = vector.broadcast %broadcast_in_dim3A_71 : f32 to vector<16xf32>
    %pack3A = tpu.pack_subelements %broadcast_in_dim3A_72, %broadcast_in_dim3A_72 {pack_format = #tpu.pack_format<interleaved>, positions = array<i32: 0, 1>} : vector<16xf32>, vector<16xf32> -> vector<32xbf16>
    %bitcast3A = vector.bitcast %pack3A : vector<32xbf16> to vector<16xi32>
    %scan3A_73 = arith.constant 0 : i32
    %scan3A_74 = arith.constant 0 : i32
    %scan3A_75 = arith.constant 625 : i32
    %scan3A_76 = arith.addi %scan3A_74, %scan3A_75 : i32
    %scan3A_77 = arith.constant 1 : i32
    scf.for %scan3A_165 = %scan3A_74 to %scan3A_76 step %scan3A_77  : i32 {
      %mul3A_166 = arith.constant 16 : i32
      %mul3A_167 = arith.muli %scan3A_165, %mul3A_166 : i32
      %get3A = arith.index_cast %mul3A_167 : i32 to index
      %get3A_168 = tpu.vector_load %arg5[%get3A] {strides = array<i32>} : memref<10000xf32, #tpu.memory_space<vmem>>, vector<16xf32>,
      %get3A_169 = arith.index_cast %mul3A_167 : i32 to index
      %get3A_170 = tpu.vector_load %arg6[%get3A_169] {strides = array<i32>} : memref<10000xf32, #tpu.memory_space<vmem>>, vector<16xf32>,
      %pack3A_171 = tpu.pack_subelements %get3A_168, %get3A_170 {pack_format = #tpu.pack_format<interleaved>, positions = array<i32: 0, 1>} : vector<16xf32>, vector<16xf32> -> vector<32xbf16>
      %bitcast3A_172 = vector.bitcast %pack3A_171 : vector<32xbf16> to vector<16xi32>
      %swap3A = arith.index_cast %mul3A_167 : i32 to index
      %swap3A_173 = tpu.vector_load %arg9[%swap3A] {strides = array<i32>} : memref<10000xi32, #tpu.memory_space<vmem>>, vector<16xi32>,
      tpu.vector_store %arg9[%swap3A], %bitcast3A_172 {strides = array<i32>} : memref<10000xi32, #tpu.memory_space<vmem>>, vector<16xi32>,
      %swap3A_174 = arith.index_cast %mul3A_167 : i32 to index
      %swap3A_175 = tpu.vector_load %arg11[%swap3A_174] {strides = array<i32>} : memref<10000xi32, #tpu.memory_space<vmem>>, vector<16xi32>,
      tpu.vector_store %arg11[%swap3A_174], %bitcast3A {strides = array<i32>} : memref<10000xi32, #tpu.memory_space<vmem>>, vector<16xi32>,
      %get3A_176 = arith.index_cast %mul3A_167 : i32 to index
      %get3A_177 = tpu.vector_load %arg7[%get3A_176] {strides = array<i32>} : memref<10000xf32, #tpu.memory_space<vmem>>, vector<16xf32>,
      %get3A_178 = arith.index_cast %mul3A_167 : i32 to index
      %get3A_179 = tpu.vector_load %arg8[%get3A_178] {strides = array<i32>} : memref<10000xf32, #tpu.memory_space<vmem>>, vector<16xf32>,
      %pack3A_180 = tpu.pack_subelements %get3A_177, %get3A_179 {pack_format = #tpu.pack_format<interleaved>, positions = array<i32: 0, 1>} : vector<16xf32>, vector<16xf32> -> vector<32xbf16>
      %bitcast3A_181 = vector.bitcast %pack3A_180 : vector<32xbf16> to vector<16xi32>
      %swap3A_182 = arith.index_cast %mul3A_167 : i32 to index
      %swap3A_183 = tpu.vector_load %arg10[%swap3A_182] {strides = array<i32>} : memref<10000xi32, #tpu.memory_space<vmem>>, vector<16xi32>,
      tpu.vector_store %arg10[%swap3A_182], %bitcast3A_181 {strides = array<i32>} : memref<10000xi32, #tpu.memory_space<vmem>>, vector<16xi32>,
      %swap3A_184 = arith.index_cast %mul3A_167 : i32 to index
      %swap3A_185 = tpu.vector_load %arg12[%swap3A_184] {strides = array<i32>} : memref<10000xi32, #tpu.memory_space<vmem>>, vector<16xi32>,
      tpu.vector_store %arg12[%swap3A_184], %bitcast3A {strides = array<i32>} : memref<10000xi32, #tpu.memory_space<vmem>>, vector<16xi32>,
    }
    %scan3A_78 = arith.constant 625 : i32
    %iota3A = tpu.iota {dimensions = array<i32: 0>} : vector<16xi32>
    %eq3A = arith.constant 0 : i32
    %eq3A_79 = vector.broadcast %eq3A : i32 to vector<16xi32>
    %eq3A_80 = arith.cmpi eq, %iota3A, %eq3A_79 : vector<16xi32>
    %broadcast_in_dim3A_81 = arith.constant 0 : i32
    %broadcast_in_dim3A_82 = vector.broadcast %broadcast_in_dim3A_81 : i32 to vector<16xi32>
    %dma_start3A_83 = arith.constant 0 : i32
    %dma_start3A_84 = arith.constant 0 : i32
    %dma_start3A_85 = arith.constant 0 : i32
    %dma_start3A_86 = arith.constant 0 : i32
    %dma_start3A_87 = tpu.memref_slice %arg13[%dma_start3A_84, %dma_start3A_85, %dma_start3A_86] : memref<2x2x3200xi32, #tpu.memory_space<vmem>> -> memref<1x1x3200xi32, #tpu.memory_space<vmem>>
    %dma_start3A_88 = tpu.memref_squeeze %dma_start3A_87 : memref<1x1x3200xi32, #tpu.memory_space<vmem>> -> memref<3200xi32, #tpu.memory_space<vmem>>
    %dma_start3A_89 = arith.constant 0 : i32
    %dma_start3A_90 = tpu.memref_slice %arg3[%dma_start3A_83, %dma_start3A_89] : memref<2x320000xi32, #tpu.memory_space<hbm>> -> memref<1x3200xi32, #tpu.memory_space<hbm>>
    %dma_start3A_91 = tpu.memref_squeeze %dma_start3A_90 : memref<1x3200xi32, #tpu.memory_space<hbm>> -> memref<3200xi32, #tpu.memory_space<hbm>>
    %dma_start3A_92 = arith.constant 0 : i32
    %dma_start3A_93 = tpu.memref_slice %arg13[%dma_start3A_84, %dma_start3A_85, %dma_start3A_92] : memref<2x2x3200xi32, #tpu.memory_space<vmem>> -> memref<1x1x3200xi32, #tpu.memory_space<vmem>>
    %dma_start3A_94 = tpu.memref_squeeze %dma_start3A_93 : memref<1x1x3200xi32, #tpu.memory_space<vmem>> -> memref<3200xi32, #tpu.memory_space<vmem>>
    %dma_start3A_95 = arith.constant 0 : i32
    %dma_start3A_96 = tpu.memref_slice %arg3[%dma_start3A_83, %dma_start3A_95] : memref<2x320000xi32, #tpu.memory_space<hbm>> -> memref<1x3200xi32, #tpu.memory_space<hbm>>
    %dma_start3A_97 = tpu.memref_squeeze %dma_start3A_96 : memref<1x3200xi32, #tpu.memory_space<hbm>> -> memref<3200xi32, #tpu.memory_space<hbm>>
    tpu.enqueue_dma source(%dma_start3A_97 : memref<3200xi32, #tpu.memory_space<hbm>>) target(%dma_start3A_94 : memref<3200xi32, #tpu.memory_space<vmem>>) target_semaphore(%arg17 : memref<!tpu.dma_semaphore, #tpu.memory_space<semaphore_mem>>)
    %dma_start3A_98 = arith.constant 1 : i32
    %dma_start3A_99 = arith.constant 0 : i32
    %dma_start3A_100 = arith.constant 1 : i32
    %dma_start3A_101 = arith.constant 0 : i32
    %dma_start3A_102 = tpu.memref_slice %arg13[%dma_start3A_99, %dma_start3A_100, %dma_start3A_101] : memref<2x2x3200xi32, #tpu.memory_space<vmem>> -> memref<1x1x3200xi32, #tpu.memory_space<vmem>>
    %dma_start3A_103 = tpu.memref_squeeze %dma_start3A_102 : memref<1x1x3200xi32, #tpu.memory_space<vmem>> -> memref<3200xi32, #tpu.memory_space<vmem>>
    %dma_start3A_104 = arith.constant 0 : i32
    %dma_start3A_105 = tpu.memref_slice %arg3[%dma_start3A_98, %dma_start3A_104] : memref<2x320000xi32, #tpu.memory_space<hbm>> -> memref<1x3200xi32, #tpu.memory_space<hbm>>
    %dma_start3A_106 = tpu.memref_squeeze %dma_start3A_105 : memref<1x3200xi32, #tpu.memory_space<hbm>> -> memref<3200xi32, #tpu.memory_space<hbm>>
    %dma_start3A_107 = arith.constant 0 : i32
    %dma_start3A_108 = tpu.memref_slice %arg13[%dma_start3A_99, %dma_start3A_100, %dma_start3A_107] : memref<2x2x3200xi32, #tpu.memory_space<vmem>> -> memref<1x1x3200xi32, #tpu.memory_space<vmem>>
    %dma_start3A_109 = tpu.memref_squeeze %dma_start3A_108 : memref<1x1x3200xi32, #tpu.memory_space<vmem>> -> memref<3200xi32, #tpu.memory_space<vmem>>
    %dma_start3A_110 = arith.constant 0 : i32
    %dma_start3A_111 = tpu.memref_slice %arg3[%dma_start3A_98, %dma_start3A_110] : memref<2x320000xi32, #tpu.memory_space<hbm>> -> memref<1x3200xi32, #tpu.memory_space<hbm>>
    %dma_start3A_112 = tpu.memref_squeeze %dma_start3A_111 : memref<1x3200xi32, #tpu.memory_space<hbm>> -> memref<3200xi32, #tpu.memory_space<hbm>>
    tpu.enqueue_dma source(%dma_start3A_112 : memref<3200xi32, #tpu.memory_space<hbm>>) target(%dma_start3A_109 : memref<3200xi32, #tpu.memory_space<vmem>>) target_semaphore(%arg17 : memref<!tpu.dma_semaphore, #tpu.memory_space<semaphore_mem>>)
    %dma_start3A_113 = arith.constant 0 : i32
    %dma_start3A_114 = arith.constant 1 : i32
    %dma_start3A_115 = arith.constant 0 : i32
    %dma_start3A_116 = arith.constant 0 : i32
    %dma_start3A_117 = tpu.memref_slice %arg13[%dma_start3A_114, %dma_start3A_115, %dma_start3A_116] : memref<2x2x3200xi32, #tpu.memory_space<vmem>> -> memref<1x1x3200xi32, #tpu.memory_space<vmem>>
    %dma_start3A_118 = tpu.memref_squeeze %dma_start3A_117 : memref<1x1x3200xi32, #tpu.memory_space<vmem>> -> memref<3200xi32, #tpu.memory_space<vmem>>
    %dma_start3A_119 = arith.constant 3200 : i32
    %dma_start3A_120 = tpu.memref_slice %arg3[%dma_start3A_113, %dma_start3A_119] : memref<2x320000xi32, #tpu.memory_space<hbm>> -> memref<1x3200xi32, #tpu.memory_space<hbm>>
    %dma_start3A_121 = tpu.memref_squeeze %dma_start3A_120 : memref<1x3200xi32, #tpu.memory_space<hbm>> -> memref<3200xi32, #tpu.memory_space<hbm>>
    %dma_start3A_122 = arith.constant 0 : i32
    %dma_start3A_123 = tpu.memref_slice %arg13[%dma_start3A_114, %dma_start3A_115, %dma_start3A_122] : memref<2x2x3200xi32, #tpu.memory_space<vmem>> -> memref<1x1x3200xi32, #tpu.memory_space<vmem>>
    %dma_start3A_124 = tpu.memref_squeeze %dma_start3A_123 : memref<1x1x3200xi32, #tpu.memory_space<vmem>> -> memref<3200xi32, #tpu.memory_space<vmem>>
    %dma_start3A_125 = arith.constant 3200 : i32
    %dma_start3A_126 = tpu.memref_slice %arg3[%dma_start3A_113, %dma_start3A_125] : memref<2x320000xi32, #tpu.memory_space<hbm>> -> memref<1x3200xi32, #tpu.memory_space<hbm>>
    %dma_start3A_127 = tpu.memref_squeeze %dma_start3A_126 : memref<1x3200xi32, #tpu.memory_space<hbm>> -> memref<3200xi32, #tpu.memory_space<hbm>>
    tpu.enqueue_dma source(%dma_start3A_127 : memref<3200xi32, #tpu.memory_space<hbm>>) target(%dma_start3A_124 : memref<3200xi32, #tpu.memory_space<vmem>>) target_semaphore(%arg18 : memref<!tpu.dma_semaphore, #tpu.memory_space<semaphore_mem>>)
    %dma_start3A_128 = arith.constant 1 : i32
    %dma_start3A_129 = arith.constant 1 : i32
    %dma_start3A_130 = arith.constant 1 : i32
    %dma_start3A_131 = arith.constant 0 : i32
    %dma_start3A_132 = tpu.memref_slice %arg13[%dma_start3A_129, %dma_start3A_130, %dma_start3A_131] : memref<2x2x3200xi32, #tpu.memory_space<vmem>> -> memref<1x1x3200xi32, #tpu.memory_space<vmem>>
    %dma_start3A_133 = tpu.memref_squeeze %dma_start3A_132 : memref<1x1x3200xi32, #tpu.memory_space<vmem>> -> memref<3200xi32, #tpu.memory_space<vmem>>
    %dma_start3A_134 = arith.constant 3200 : i32
    %dma_start3A_135 = tpu.memref_slice %arg3[%dma_start3A_128, %dma_start3A_134] : memref<2x320000xi32, #tpu.memory_space<hbm>> -> memref<1x3200xi32, #tpu.memory_space<hbm>>
    %dma_start3A_136 = tpu.memref_squeeze %dma_start3A_135 : memref<1x3200xi32, #tpu.memory_space<hbm>> -> memref<3200xi32, #tpu.memory_space<hbm>>
    %dma_start3A_137 = arith.constant 0 : i32
    %dma_start3A_138 = tpu.memref_slice %arg13[%dma_start3A_129, %dma_start3A_130, %dma_start3A_137] : memref<2x2x3200xi32, #tpu.memory_space<vmem>> -> memref<1x1x3200xi32, #tpu.memory_space<vmem>>
    %dma_start3A_139 = tpu.memref_squeeze %dma_start3A_138 : memref<1x1x3200xi32, #tpu.memory_space<vmem>> -> memref<3200xi32, #tpu.memory_space<vmem>>
    %dma_start3A_140 = arith.constant 3200 : i32
    %dma_start3A_141 = tpu.memref_slice %arg3[%dma_start3A_128, %dma_start3A_140] : memref<2x320000xi32, #tpu.memory_space<hbm>> -> memref<1x3200xi32, #tpu.memory_space<hbm>>
    %dma_start3A_142 = tpu.memref_squeeze %dma_start3A_141 : memref<1x3200xi32, #tpu.memory_space<hbm>> -> memref<3200xi32, #tpu.memory_space<hbm>>
    tpu.enqueue_dma source(%dma_start3A_142 : memref<3200xi32, #tpu.memory_space<hbm>>) target(%dma_start3A_139 : memref<3200xi32, #tpu.memory_space<vmem>>) target_semaphore(%arg18 : memref<!tpu.dma_semaphore, #tpu.memory_space<semaphore_mem>>)
    %scan3A_143 = arith.constant 0 : i32
    %scan3A_144 = arith.constant 0 : i32
    %scan3A_145 = arith.constant 50 : i32
    %scan3A_146 = arith.addi %scan3A_144, %scan3A_145 : i32
    %scan3A_147 = arith.constant 1 : i32
    scf.for %scan3A_165 = %scan3A_144 to %scan3A_146 step %scan3A_147  : i32 {
      %mul3A_166 = arith.constant 2 : i32
      %mul3A_167 = arith.muli %scan3A_165, %mul3A_166 : i32
      %add3A_168 = arith.constant 0 : i32
      %add3A_169 = arith.addi %mul3A_167, %add3A_168 : i32
      %dma_wait3A_170 = arith.constant 0 : i32
      %dma_wait3A_171 = arith.constant 0 : i32
      %dma_wait3A_172 = arith.constant 0 : i32
      %dma_wait3A_173 = arith.constant 0 : i32
      %dma_wait3A_174 = tpu.memref_slice %arg13[%dma_wait3A_171, %dma_wait3A_172, %dma_wait3A_173] : memref<2x2x3200xi32, #tpu.memory_space<vmem>> -> memref<1x1x3200xi32, #tpu.memory_space<vmem>>
      %dma_wait3A_175 = tpu.memref_squeeze %dma_wait3A_174 : memref<1x1x3200xi32, #tpu.memory_space<vmem>> -> memref<3200xi32, #tpu.memory_space<vmem>>
      %dma_wait3A_176 = arith.constant 0 : i32
      %dma_wait3A_177 = tpu.memref_slice %arg3[%dma_wait3A_170, %dma_wait3A_176] : memref<2x320000xi32, #tpu.memory_space<hbm>> -> memref<1x3200xi32, #tpu.memory_space<hbm>>
      %dma_wait3A_178 = tpu.memref_squeeze %dma_wait3A_177 : memref<1x3200xi32, #tpu.memory_space<hbm>> -> memref<3200xi32, #tpu.memory_space<hbm>>
      %dma_wait3A_179 = arith.constant 0 : i32
      %dma_wait3A_180 = tpu.memref_slice %arg13[%dma_wait3A_171, %dma_wait3A_172, %dma_wait3A_179] : memref<2x2x3200xi32, #tpu.memory_space<vmem>> -> memref<1x1x3200xi32, #tpu.memory_space<vmem>>
      %dma_wait3A_181 = tpu.memref_squeeze %dma_wait3A_180 : memref<1x1x3200xi32, #tpu.memory_space<vmem>> -> memref<3200xi32, #tpu.memory_space<vmem>>
      %dma_wait3A_182 = arith.constant 0 : i32
      %dma_wait3A_183 = tpu.memref_slice %arg3[%dma_wait3A_170, %dma_wait3A_182] : memref<2x320000xi32, #tpu.memory_space<hbm>> -> memref<1x3200xi32, #tpu.memory_space<hbm>>
      %dma_wait3A_184 = tpu.memref_squeeze %dma_wait3A_183 : memref<1x3200xi32, #tpu.memory_space<hbm>> -> memref<3200xi32, #tpu.memory_space<hbm>>
      tpu.wait_dma2 semaphore(%arg17 : memref<!tpu.dma_semaphore, #tpu.memory_space<semaphore_mem>>) src(%dma_wait3A_184 : memref<3200xi32, #tpu.memory_space<hbm>>) dst(%dma_wait3A_181 : memref<3200xi32, #tpu.memory_space<vmem>>)
      %dma_wait3A_185 = arith.constant 1 : i32
      %dma_wait3A_186 = arith.constant 0 : i32
      %dma_wait3A_187 = arith.constant 1 : i32
      %dma_wait3A_188 = arith.constant 0 : i32
      %dma_wait3A_189 = tpu.memref_slice %arg13[%dma_wait3A_186, %dma_wait3A_187, %dma_wait3A_188] : memref<2x2x3200xi32, #tpu.memory_space<vmem>> -> memref<1x1x3200xi32, #tpu.memory_space<vmem>>
      %dma_wait3A_190 = tpu.memref_squeeze %dma_wait3A_189 : memref<1x1x3200xi32, #tpu.memory_space<vmem>> -> memref<3200xi32, #tpu.memory_space<vmem>>
      %dma_wait3A_191 = arith.constant 0 : i32
      %dma_wait3A_192 = tpu.memref_slice %arg3[%dma_wait3A_185, %dma_wait3A_191] : memref<2x320000xi32, #tpu.memory_space<hbm>> -> memref<1x3200xi32, #tpu.memory_space<hbm>>
      %dma_wait3A_193 = tpu.memref_squeeze %dma_wait3A_192 : memref<1x3200xi32, #tpu.memory_space<hbm>> -> memref<3200xi32, #tpu.memory_space<hbm>>
      %dma_wait3A_194 = arith.constant 0 : i32
      %dma_wait3A_195 = tpu.memref_slice %arg13[%dma_wait3A_186, %dma_wait3A_187, %dma_wait3A_194] : memref<2x2x3200xi32, #tpu.memory_space<vmem>> -> memref<1x1x3200xi32, #tpu.memory_space<vmem>>
      %dma_wait3A_196 = tpu.memref_squeeze %dma_wait3A_195 : memref<1x1x3200xi32, #tpu.memory_space<vmem>> -> memref<3200xi32, #tpu.memory_space<vmem>>
      %dma_wait3A_197 = arith.constant 0 : i32
      %dma_wait3A_198 = tpu.memref_slice %arg3[%dma_wait3A_185, %dma_wait3A_197] : memref<2x320000xi32, #tpu.memory_space<hbm>> -> memref<1x3200xi32, #tpu.memory_space<hbm>>
      %dma_wait3A_199 = tpu.memref_squeeze %dma_wait3A_198 : memref<1x3200xi32, #tpu.memory_space<hbm>> -> memref<3200xi32, #tpu.memory_space<hbm>>
      tpu.wait_dma2 semaphore(%arg17 : memref<!tpu.dma_semaphore, #tpu.memory_space<semaphore_mem>>) src(%dma_wait3A_199 : memref<3200xi32, #tpu.memory_space<hbm>>) dst(%dma_wait3A_196 : memref<3200xi32, #tpu.memory_space<vmem>>)
      %get3A = arith.constant 0 : i32
      %get3A_200 = arith.constant 0 : i32
      %get3A_201 = arith.index_cast %get3A : i32 to index
      %get3A_202 = arith.index_cast %get3A_200 : i32 to index
      %get3A_203 = arith.constant 0 : index
      %get3A_204 = tpu.vector_load %arg13[%get3A_201, %get3A_202, %get3A_203] {strides = array<i32>} : memref<2x2x3200xi32, #tpu.memory_space<vmem>>, vector<16xi32>,
      %get3A_205 = arith.constant 0 : i32
      %get3A_206 = arith.constant 1 : i32
      %get3A_207 = arith.index_cast %get3A_205 : i32 to index
      %get3A_208 = arith.index_cast %get3A_206 : i32 to index
      %get3A_209 = arith.constant 0 : index
      %get3A_210 = tpu.vector_load %arg13[%get3A_207, %get3A_208, %get3A_209] {strides = array<i32>} : memref<2x2x3200xi32, #tpu.memory_space<vmem>>, vector<16xi32>,
      %gather3A = tpu.vector_load_idx %arg9[%get3A_204] : memref<10000xi32, #tpu.memory_space<vmem>>[vector<16xi32>], vector<16xi32>,
      %gather3A_211 = tpu.vector_load_idx %arg10[%get3A_204] : memref<10000xi32, #tpu.memory_space<vmem>>[vector<16xi32>], vector<16xi32>,
      tpu.vector_store_idx %arg14[%get3A_210], %iota3A : memref<10000xi32, #tpu.memory_space<vmem>>[vector<16xi32>], vector<16xi32>,
      %gather3A_212 = tpu.vector_load_idx %arg14[%get3A_210] : memref<10000xi32, #tpu.memory_space<vmem>>[vector<16xi32>], vector<16xi32>,
      %eq3A_213 = arith.cmpi eq, %gather3A_212, %iota3A : vector<16xi32>
      %not3A = arith.constant dense<true> : vector<16xi1>
      %not3A_214 = arith.xori %eq3A_213, %not3A : vector<16xi1>
      %all_reduce_population_count3A = tpu.all_reduce %not3A_214 {dim = 0 : i64, kind = #tpu.reduction_kind<sum>} : vector<16xi1> -> vector<16xi32>
      %add3A_215 = arith.constant 0 : i32
      %add3A_216 = vector.broadcast %add3A_215 : i32 to vector<16xi32>
      %add3A_217 = arith.addi %broadcast_in_dim3A_82, %add3A_216 : vector<16xi32>
      tpu.vector_store_idx %arg16[%add3A_217], %all_reduce_population_count3A masked %eq3A_80 : memref<224xi32, #tpu.memory_space<vmem>>[vector<16xi32>], vector<16xi32>, vector<16xi1>
      %get3A_218 = arith.constant 0 : i32
      %get3A_219 = arith.constant 0 : i32
      %get3A_220 = arith.index_cast %get3A_218 : i32 to index
      %get3A_221 = arith.index_cast %get3A_219 : i32 to index
      %get3A_222 = arith.constant 16 : index
      %get3A_223 = tpu.vector_load %arg13[%get3A_220, %get3A_221, %get3A_222] {strides = array<i32>} : memref<2x2x3200xi32, #tpu.memory_space<vmem>>, vector<16xi32>,
      %get3A_224 = arith.constant 0 : i32
      %get3A_225 = arith.constant 1 : i32
      %get3A_226 = arith.index_cast %get3A_224 : i32 to index
      %get3A_227 = arith.index_cast %get3A_225 : i32 to index
      %get3A_228 = arith.constant 16 : index
      %get3A_229 = tpu.vector_load %arg13[%get3A_226, %get3A_227, %get3A_228] {strides = array<i32>} : memref<2x2x3200xi32, #tpu.memory_space<vmem>>, vector<16xi32>,
      %gather3A_230 = tpu.vector_load_idx %arg9[%get3A_223] : memref<10000xi32, #tpu.memory_space<vmem>>[vector<16xi32>], vector<16xi32>,
      %gather3A_231 = tpu.vector_load_idx %arg10[%get3A_223] : memref<10000xi32, #tpu.memory_space<vmem>>[vector<16xi32>], vector<16xi32>,
      tpu.vector_store_idx %arg15[%get3A_229], %iota3A : memref<10000xi32, #tpu.memory_space<vmem>>[vector<16xi32>], vector<16xi32>,
      %gather3A_232 = tpu.vector_load_idx %arg15[%get3A_229] : memref<10000xi32, #tpu.memory_space<vmem>>[vector<16xi32>], vector<16xi32>,
      %eq3A_233 = arith.cmpi eq, %gather3A_232, %iota3A : vector<16xi32>
      %not3A_234 = arith.constant dense<true> : vector<16xi1>
      %not3A_235 = arith.xori %eq3A_233, %not3A_234 : vector<16xi1>
      %all_reduce_population_count3A_236 = tpu.all_reduce %not3A_235 {dim = 0 : i64, kind = #tpu.reduction_kind<sum>} : vector<16xi1> -> vector<16xi32>
      %add3A_237 = arith.constant 1 : i32
      %add3A_238 = vector.broadcast %add3A_237 : i32 to vector<16xi32>
      %add3A_239 = arith.addi %broadcast_in_dim3A_82, %add3A_238 : vector<16xi32>
      tpu.vector_store_idx %arg16[%add3A_239], %all_reduce_population_count3A_236 masked %eq3A_80 : memref<224xi32, #tpu.memory_space<vmem>>[vector<16xi32>], vector<16xi32>, vector<16xi1>
      %scan3A_240 = arith.constant 0 : i32
      %scan3A_241 = arith.constant 100 : i32
      %scan3A_242 = arith.addi %scan3A_240, %scan3A_241 : i32
      %scan3A_243 = arith.constant 1 : i32
      %scan3A_244:8 = scf.for %scan3A_353 = %scan3A_240 to %scan3A_242 step %scan3A_243 iter_args(%scan3A_354 = %get3A_210, %scan3A_355 = %eq3A_213, %scan3A_356 = %gather3A, %scan3A_357 = %gather3A_211, %scan3A_358 = %get3A_229, %scan3A_359 = %eq3A_233, %scan3A_360 = %gather3A_230, %scan3A_361 = %gather3A_231) -> (vector<16xi32>, vector<16xi1>, vector<16xi32>, vector<16xi32>, vector<16xi32>, vector<16xi1>, vector<16xi32>, vector<16xi32>)  : i32 {
        %add3A_362 = arith.constant 1 : i32
        %add3A_363 = arith.addi %scan3A_353, %add3A_362 : i32
        %min3A = arith.constant 99 : i32
        %min3A_364 = arith.minsi %add3A_363, %min3A : i32
        %mul3A_365 = arith.constant 2 : i32
        %mul3A_366 = arith.muli %min3A_364, %mul3A_365 : i32
        %add3A_367 = arith.constant 1 : i32
        %add3A_368 = arith.addi %mul3A_366, %add3A_367 : i32
        %mul3A_369 = arith.constant 16 : i32
        %mul3A_370 = arith.muli %mul3A_366, %mul3A_369 : i32
        %get3A_371 = arith.constant 0 : i32
        %get3A_372 = arith.constant 0 : i32
        %get3A_373 = arith.index_cast %get3A_371 : i32 to index
        %get3A_374 = arith.index_cast %get3A_372 : i32 to index
        %get3A_375 = arith.index_cast %mul3A_370 : i32 to index
        %get3A_376 = tpu.vector_load %arg13[%get3A_373, %get3A_374, %get3A_375] {strides = array<i32>} : memref<2x2x3200xi32, #tpu.memory_space<vmem>>, vector<16xi32>,
        %mul3A_377 = arith.constant 16 : i32
        %mul3A_378 = arith.muli %mul3A_366, %mul3A_377 : i32
        %get3A_379 = arith.constant 0 : i32
        %get3A_380 = arith.constant 1 : i32
        %get3A_381 = arith.index_cast %get3A_379 : i32 to index
        %get3A_382 = arith.index_cast %get3A_380 : i32 to index
        %get3A_383 = arith.index_cast %mul3A_378 : i32 to index
        %get3A_384 = tpu.vector_load %arg13[%get3A_381, %get3A_382, %get3A_383] {strides = array<i32>} : memref<2x2x3200xi32, #tpu.memory_space<vmem>>, vector<16xi32>,
        %mul3A_385 = arith.constant 16 : i32
        %mul3A_386 = arith.muli %add3A_368, %mul3A_385 : i32
        %get3A_387 = arith.constant 0 : i32
        %get3A_388 = arith.constant 0 : i32
        %get3A_389 = arith.index_cast %get3A_387 : i32 to index
        %get3A_390 = arith.index_cast %get3A_388 : i32 to index
        %get3A_391 = arith.index_cast %mul3A_386 : i32 to index
        %get3A_392 = tpu.vector_load %arg13[%get3A_389, %get3A_390, %get3A_391] {strides = array<i32>} : memref<2x2x3200xi32, #tpu.memory_space<vmem>>, vector<16xi32>,
        %mul3A_393 = arith.constant 16 : i32
        %mul3A_394 = arith.muli %add3A_368, %mul3A_393 : i32
        %get3A_395 = arith.constant 0 : i32
        %get3A_396 = arith.constant 1 : i32
        %get3A_397 = arith.index_cast %get3A_395 : i32 to index
        %get3A_398 = arith.index_cast %get3A_396 : i32 to index
        %get3A_399 = arith.index_cast %mul3A_394 : i32 to index
        %get3A_400 = tpu.vector_load %arg13[%get3A_397, %get3A_398, %get3A_399] {strides = array<i32>} : memref<2x2x3200xi32, #tpu.memory_space<vmem>>, vector<16xi32>,
        tpu.vector_store_idx %arg14[%get3A_384], %iota3A : memref<10000xi32, #tpu.memory_space<vmem>>[vector<16xi32>], vector<16xi32>,
        tpu.vector_store_idx %arg15[%get3A_400], %iota3A : memref<10000xi32, #tpu.memory_space<vmem>>[vector<16xi32>], vector<16xi32>,
        %gather3A_401 = tpu.vector_load_idx %arg9[%get3A_376] : memref<10000xi32, #tpu.memory_space<vmem>>[vector<16xi32>], vector<16xi32>,
        %gather3A_402 = tpu.vector_load_idx %arg10[%get3A_376] : memref<10000xi32, #tpu.memory_space<vmem>>[vector<16xi32>], vector<16xi32>,
        %gather3A_403 = tpu.vector_load_idx %arg9[%get3A_392] : memref<10000xi32, #tpu.memory_space<vmem>>[vector<16xi32>], vector<16xi32>,
        %gather3A_404 = tpu.vector_load_idx %arg10[%get3A_392] : memref<10000xi32, #tpu.memory_space<vmem>>[vector<16xi32>], vector<16xi32>,
        %gather3A_405 = tpu.vector_load_idx %arg14[%get3A_384] : memref<10000xi32, #tpu.memory_space<vmem>>[vector<16xi32>], vector<16xi32>,
        %gather3A_406 = tpu.vector_load_idx %arg15[%get3A_400] : memref<10000xi32, #tpu.memory_space<vmem>>[vector<16xi32>], vector<16xi32>,
        %gather3A_407 = tpu.vector_load_idx %arg11[%scan3A_354] : memref<10000xi32, #tpu.memory_space<vmem>>[vector<16xi32>], vector<16xi32>,
        %gather3A_408 = tpu.vector_load_idx %arg12[%scan3A_354] : memref<10000xi32, #tpu.memory_space<vmem>>[vector<16xi32>], vector<16xi32>,
        %bitcast3A_409 = vector.bitcast %gather3A_407 : vector<16xi32> to vector<32xbf16>
        %bitcast3A_410 = vector.bitcast %scan3A_356 : vector<16xi32> to vector<32xbf16>
        %max3A = arith.maximumf %bitcast3A_409, %bitcast3A_410 : vector<32xbf16>
        %bitcast3A_411 = vector.bitcast %max3A : vector<32xbf16> to vector<16xi32>
        %bitcast3A_412 = vector.bitcast %gather3A_408 : vector<16xi32> to vector<32xbf16>
        %bitcast3A_413 = vector.bitcast %scan3A_357 : vector<16xi32> to vector<32xbf16>
        %max3A_414 = arith.maximumf %bitcast3A_412, %bitcast3A_413 : vector<32xbf16>
        %bitcast3A_415 = vector.bitcast %max3A_414 : vector<32xbf16> to vector<16xi32>
        tpu.vector_store_idx %arg11[%scan3A_354], %bitcast3A_411 masked %scan3A_355 : memref<10000xi32, #tpu.memory_space<vmem>>[vector<16xi32>], vector<16xi32>, vector<16xi1>
        tpu.vector_store_idx %arg12[%scan3A_354], %bitcast3A_415 masked %scan3A_355 : memref<10000xi32, #tpu.memory_space<vmem>>[vector<16xi32>], vector<16xi32>, vector<16xi1>
        %eq3A_416 = arith.cmpi eq, %gather3A_405, %iota3A : vector<16xi32>
        %eq3A_417 = arith.cmpi eq, %gather3A_406, %iota3A : vector<16xi32>
        %not3A_418 = arith.constant dense<true> : vector<16xi1>
        %not3A_419 = arith.xori %eq3A_416, %not3A_418 : vector<16xi1>
        %all_reduce_population_count3A_420 = tpu.all_reduce %not3A_419 {dim = 0 : i64, kind = #tpu.reduction_kind<sum>} : vector<16xi1> -> vector<16xi32>
        %not3A_421 = arith.constant dense<true> : vector<16xi1>
        %not3A_422 = arith.xori %eq3A_417, %not3A_421 : vector<16xi1>
        %all_reduce_population_count3A_423 = tpu.all_reduce %not3A_422 {dim = 0 : i64, kind = #tpu.reduction_kind<sum>} : vector<16xi1> -> vector<16xi32>
        %add3A_424 = vector.broadcast %mul3A_366 : i32 to vector<16xi32>
        %add3A_425 = arith.addi %broadcast_in_dim3A_82, %add3A_424 : vector<16xi32>
        tpu.vector_store_idx %arg16[%add3A_425], %all_reduce_population_count3A_420 masked %eq3A_80 : memref<224xi32, #tpu.memory_space<vmem>>[vector<16xi32>], vector<16xi32>, vector<16xi1>
        %add3A_426 = vector.broadcast %add3A_368 : i32 to vector<16xi32>
        %add3A_427 = arith.addi %broadcast_in_dim3A_82, %add3A_426 : vector<16xi32>
        tpu.vector_store_idx %arg16[%add3A_427], %all_reduce_population_count3A_423 masked %eq3A_80 : memref<224xi32, #tpu.memory_space<vmem>>[vector<16xi32>], vector<16xi32>, vector<16xi1>
        %gather3A_428 = tpu.vector_load_idx %arg11[%scan3A_358] : memref<10000xi32, #tpu.memory_space<vmem>>[vector<16xi32>], vector<16xi32>,
        %gather3A_429 = tpu.vector_load_idx %arg12[%scan3A_358] : memref<10000xi32, #tpu.memory_space<vmem>>[vector<16xi32>], vector<16xi32>,
        %bitcast3A_430 = vector.bitcast %gather3A_428 : vector<16xi32> to vector<32xbf16>
        %bitcast3A_431 = vector.bitcast %scan3A_360 : vector<16xi32> to vector<32xbf16>
        %max3A_432 = arith.maximumf %bitcast3A_430, %bitcast3A_431 : vector<32xbf16>
        %bitcast3A_433 = vector.bitcast %max3A_432 : vector<32xbf16> to vector<16xi32>
        %bitcast3A_434 = vector.bitcast %gather3A_429 : vector<16xi32> to vector<32xbf16>
        %bitcast3A_435 = vector.bitcast %scan3A_361 : vector<16xi32> to vector<32xbf16>
        %max3A_436 = arith.maximumf %bitcast3A_434, %bitcast3A_435 : vector<32xbf16>
        %bitcast3A_437 = vector.bitcast %max3A_436 : vector<32xbf16> to vector<16xi32>
        tpu.vector_store_idx %arg11[%scan3A_358], %bitcast3A_433 masked %scan3A_359 : memref<10000xi32, #tpu.memory_space<vmem>>[vector<16xi32>], vector<16xi32>, vector<16xi1>
        tpu.vector_store_idx %arg12[%scan3A_358], %bitcast3A_437 masked %scan3A_359 : memref<10000xi32, #tpu.memory_space<vmem>>[vector<16xi32>], vector<16xi32>, vector<16xi1>
        scf.yield %get3A_384, %eq3A_416, %gather3A_401, %gather3A_402, %get3A_400, %eq3A_417, %gather3A_403, %gather3A_404 : vector<16xi32>, vector<16xi1>, vector<16xi32>, vector<16xi32>, vector<16xi32>, vector<16xi1>, vector<16xi32>, vector<16xi32>
      }
      %scan3A_245 = arith.constant 100 : i32
      %scan3A_246 = arith.constant 0 : i32
      %scan3A_247 = arith.constant 0 : i32
      %scan3A_248 = arith.constant 13 : i32
      %scan3A_249 = arith.addi %scan3A_247, %scan3A_248 : i32
      %scan3A_250 = arith.constant 1 : i32
      scf.for %scan3A_353 = %scan3A_247 to %scan3A_249 step %scan3A_250  : i32 {
        %mul3A_354 = arith.constant 16 : i32
        %mul3A_355 = arith.muli %scan3A_353, %mul3A_354 : i32
        %get3A_356 = arith.index_cast %mul3A_355 : i32 to index
        %get3A_357 = tpu.vector_load %arg16[%get3A_356] {strides = array<i32>} : memref<224xi32, #tpu.memory_space<vmem>>, vector<16xi32>,
        %ne3A = arith.constant 0 : i32
        %ne3A_358 = vector.broadcast %ne3A : i32 to vector<16xi32>
        %ne3A_359 = arith.cmpi ne, %get3A_357, %ne3A_358 : vector<16xi32>
        %reduce_or3A = arith.constant 1.000000e+00 : f32
        %reduce_or3A_360 = arith.constant 0.000000e+00 : f32
        %reduce_or3A_361 = vector.broadcast %reduce_or3A : f32 to vector<16xf32>
        %reduce_or3A_362 = vector.broadcast %reduce_or3A_360 : f32 to vector<16xf32>
        %reduce_or3A_363 = arith.select %ne3A_359, %reduce_or3A_361, %reduce_or3A_362 : vector<16xi1>, vector<16xf32>
        %reduce_or3A_364 = arith.constant true
        %reduce_or3A_365 = vector.broadcast %reduce_or3A_364 : i1 to vector<16xi1>
        %reduce_or3A_366 = tpu.scan <max>, %reduce_or3A_363 masked %reduce_or3A_365 : vector<16xf32>, vector<16xi1> -> vector<16xf32>
        %reduce_or3A_367 = vector.extract %reduce_or3A_366[15] : f32 from vector<16xf32>
        %reduce_or3A_368 = arith.constant 0.000000e+00 : f32
        %reduce_or3A_369 = arith.cmpf ogt, %reduce_or3A_367, %reduce_or3A_368 : f32
        %convert_element_type3A_370 = arith.extui %reduce_or3A_369 : i1 to i32
        %cond3A_371 = arith.constant 0 : i32
        %cond3A_372 = arith.cmpi ne, %convert_element_type3A_370, %cond3A_371 : i32
        scf.if %cond3A_372 {
          %scan3A_373 = arith.constant 0 : i32
          %scan3A_374 = arith.constant 0 : i32
          %scan3A_375 = arith.constant 16 : i32
          %scan3A_376 = arith.addi %scan3A_374, %scan3A_375 : i32
          %scan3A_377 = arith.constant 1 : i32
          scf.for %scan3A_379 = %scan3A_374 to %scan3A_376 step %scan3A_377  : i32 {
            %mul3A_380 = arith.constant 16 : i32
            %mul3A_381 = arith.muli %scan3A_353, %mul3A_380 : i32
            %add3A_382 = arith.addi %mul3A_381, %scan3A_379 : i32
            %get3A_383 = arith.index_cast %add3A_382 : i32 to index
            %get3A_384 = tpu.vector_load %arg16[%get3A_383] {strides = array<i32>} : memref<224xi32, #tpu.memory_space<vmem>>, vector<16xi32>,
            %slice3A = vector.extract_strided_slice %get3A_384 {offsets = [0], sizes = [1], strides = [1]} : vector<16xi32> to vector<1xi32>
            %squeeze3A = vector.extract %slice3A[0] : i32 from vector<1xi32>
            %ne3A_385 = arith.constant 0 : i32
            %ne3A_386 = arith.cmpi ne, %squeeze3A, %ne3A_385 : i32
            %convert_element_type3A_387 = arith.extui %ne3A_386 : i1 to i32
            %cond3A_388 = arith.constant 0 : i32
            %cond3A_389 = arith.cmpi ne, %convert_element_type3A_387, %cond3A_388 : i32
            scf.if %cond3A_389 {
              %mul3A_390 = arith.constant 16 : i32
              %mul3A_391 = arith.muli %add3A_382, %mul3A_390 : i32
              %get3A_392 = arith.constant 0 : i32
              %get3A_393 = arith.constant 0 : i32
              %get3A_394 = arith.index_cast %get3A_392 : i32 to index
              %get3A_395 = arith.index_cast %get3A_393 : i32 to index
              %get3A_396 = arith.index_cast %mul3A_391 : i32 to index
              %get3A_397 = tpu.vector_load %arg13[%get3A_394, %get3A_395, %get3A_396] {strides = array<i32>} : memref<2x2x3200xi32, #tpu.memory_space<vmem>>, vector<16xi32>,
              %get3A_398 = arith.constant 0 : i32
              %get3A_399 = arith.constant 1 : i32
              %get3A_400 = arith.index_cast %get3A_398 : i32 to index
              %get3A_401 = arith.index_cast %get3A_399 : i32 to index
              %get3A_402 = arith.index_cast %mul3A_391 : i32 to index
              %get3A_403 = tpu.vector_load %arg13[%get3A_400, %get3A_401, %get3A_402] {strides = array<i32>} : memref<2x2x3200xi32, #tpu.memory_space<vmem>>, vector<16xi32>,
              %gather3A_404 = tpu.vector_load_idx %arg9[%get3A_397] : memref<10000xi32, #tpu.memory_space<vmem>>[vector<16xi32>], vector<16xi32>,
              %gather3A_405 = tpu.vector_load_idx %arg10[%get3A_397] : memref<10000xi32, #tpu.memory_space<vmem>>[vector<16xi32>], vector<16xi32>,
              %broadcast_in_dim3A_406 = arith.constant true
              %broadcast_in_dim3A_407 = vector.broadcast %broadcast_in_dim3A_406 : i1 to vector<16xi1>
              %unique3A, %unique3A_408 = tpu.scan_count mask(%broadcast_in_dim3A_407 : vector<16xi1>) value(%get3A_403 : vector<16xi32>) : vector<16xi1>, vector<16xi32>
              %reduce_max3A = arith.constant true
              %reduce_max3A_409 = vector.broadcast %reduce_max3A : i1 to vector<16xi1>
              %reduce_max3A_410 = arith.constant -2147483648 : i32
              %reduce_max3A_411 = vector.broadcast %reduce_max3A_410 : i32 to vector<16xi32>
              %reduce_max3A_412 = arith.xori %unique3A_408, %reduce_max3A_411 : vector<16xi32>
              %reduce_max3A_413 = tpu.scan <max>, %reduce_max3A_412 masked %reduce_max3A_409 : vector<16xi32>, vector<16xi1> -> vector<16xi32>
              %reduce_max3A_414 = arith.xori %reduce_max3A_413, %reduce_max3A_411 : vector<16xi32>
              %reduce_max3A_415 = vector.extract %reduce_max3A_414[15] : i32 from vector<16xi32>
              %add3A_416 = arith.constant 1 : i32
              %add3A_417 = arith.addi %reduce_max3A_415, %add3A_416 : i32
              %while3A = arith.constant 0 : i32
              %while3A_418 = arith.constant 0 : i32
              %while3A_419 = arith.subi %add3A_417, %while3A_418 : i32
              %while3A_420 = arith.addi %while3A_418, %while3A_419 : i32
              %while3A_421 = arith.constant 1 : i32
              %while3A_422 = arith.divsi %while3A_419, %while3A_421 : i32
              %while3A_423 = arith.muli %while3A_422, %while3A_421 : i32
              %while3A_424 = arith.addi %while3A_418, %while3A_423 : i32
              %while3A_425 = arith.constant 1 : i32
              scf.for %while3A_427 = %while3A_418 to %while3A_424 step %while3A_425  : i32 {
                %eq3A_428 = vector.broadcast %while3A_427 : i32 to vector<16xi32>
                %eq3A_429 = arith.cmpi eq, %unique3A_408, %eq3A_428 : vector<16xi32>
                %gather3A_430 = tpu.vector_load_idx %arg11[%get3A_403] : memref<10000xi32, #tpu.memory_space<vmem>>[vector<16xi32>], vector<16xi32>,
                %gather3A_431 = tpu.vector_load_idx %arg12[%get3A_403] : memref<10000xi32, #tpu.memory_space<vmem>>[vector<16xi32>], vector<16xi32>,
                %bitcast3A_432 = vector.bitcast %gather3A_430 : vector<16xi32> to vector<32xbf16>
                %bitcast3A_433 = vector.bitcast %gather3A_404 : vector<16xi32> to vector<32xbf16>
                %max3A = arith.maximumf %bitcast3A_432, %bitcast3A_433 : vector<32xbf16>
                %bitcast3A_434 = vector.bitcast %max3A : vector<32xbf16> to vector<16xi32>
                %bitcast3A_435 = vector.bitcast %gather3A_431 : vector<16xi32> to vector<32xbf16>
                %bitcast3A_436 = vector.bitcast %gather3A_405 : vector<16xi32> to vector<32xbf16>
                %max3A_437 = arith.maximumf %bitcast3A_435, %bitcast3A_436 : vector<32xbf16>
                %bitcast3A_438 = vector.bitcast %max3A_437 : vector<32xbf16> to vector<16xi32>
                tpu.vector_store_idx %arg11[%get3A_403], %bitcast3A_434 masked %eq3A_429 : memref<10000xi32, #tpu.memory_space<vmem>>[vector<16xi32>], vector<16xi32>, vector<16xi1>
                tpu.vector_store_idx %arg12[%get3A_403], %bitcast3A_438 masked %eq3A_429 : memref<10000xi32, #tpu.memory_space<vmem>>[vector<16xi32>], vector<16xi32>, vector<16xi1>
              }
              %while3A_426 = arith.constant 1 : i32
              scf.for %while3A_427 = %while3A_424 to %while3A_420 step %while3A_426  : i32 {
                %eq3A_428 = vector.broadcast %while3A_427 : i32 to vector<16xi32>
                %eq3A_429 = arith.cmpi eq, %unique3A_408, %eq3A_428 : vector<16xi32>
                %gather3A_430 = tpu.vector_load_idx %arg11[%get3A_403] : memref<10000xi32, #tpu.memory_space<vmem>>[vector<16xi32>], vector<16xi32>,
                %gather3A_431 = tpu.vector_load_idx %arg12[%get3A_403] : memref<10000xi32, #tpu.memory_space<vmem>>[vector<16xi32>], vector<16xi32>,
                %bitcast3A_432 = vector.bitcast %gather3A_430 : vector<16xi32> to vector<32xbf16>
                %bitcast3A_433 = vector.bitcast %gather3A_404 : vector<16xi32> to vector<32xbf16>
                %max3A = arith.maximumf %bitcast3A_432, %bitcast3A_433 : vector<32xbf16>
                %bitcast3A_434 = vector.bitcast %max3A : vector<32xbf16> to vector<16xi32>
                %bitcast3A_435 = vector.bitcast %gather3A_431 : vector<16xi32> to vector<32xbf16>
                %bitcast3A_436 = vector.bitcast %gather3A_405 : vector<16xi32> to vector<32xbf16>
                %max3A_437 = arith.maximumf %bitcast3A_435, %bitcast3A_436 : vector<32xbf16>
                %bitcast3A_438 = vector.bitcast %max3A_437 : vector<32xbf16> to vector<16xi32>
                tpu.vector_store_idx %arg11[%get3A_403], %bitcast3A_434 masked %eq3A_429 : memref<10000xi32, #tpu.memory_space<vmem>>[vector<16xi32>], vector<16xi32>, vector<16xi1>
                tpu.vector_store_idx %arg12[%get3A_403], %bitcast3A_438 masked %eq3A_429 : memref<10000xi32, #tpu.memory_space<vmem>>[vector<16xi32>], vector<16xi32>, vector<16xi1>
              }
            } else {
            }
          }
          %scan3A_378 = arith.constant 16 : i32
        } else {
        }
      }
      %scan3A_251 = arith.constant 13 : i32
      %add3A_252 = arith.constant 2 : i32
      %add3A_253 = arith.addi %add3A_169, %add3A_252 : i32
      %lt3A = arith.constant 100 : i32
      %lt3A_254 = arith.cmpi slt, %add3A_253, %lt3A : i32
      %convert_element_type3A = arith.extui %lt3A_254 : i1 to i32
      %cond3A = arith.constant 0 : i32
      %cond3A_255 = arith.cmpi ne, %convert_element_type3A, %cond3A : i32
      scf.if %cond3A_255 {
        %add3A_353 = arith.constant 2 : i32
        %add3A_354 = arith.addi %add3A_169, %add3A_353 : i32
        %mul3A_355 = arith.constant 3200 : i32
        %mul3A_356 = arith.muli %add3A_354, %mul3A_355 : i32
        %dma_start3A_357 = arith.constant 0 : i32
        %dma_start3A_358 = arith.constant 0 : i32
        %dma_start3A_359 = arith.constant 0 : i32
        %dma_start3A_360 = arith.constant 0 : i32
        %dma_start3A_361 = tpu.memref_slice %arg13[%dma_start3A_358, %dma_start3A_359, %dma_start3A_360] : memref<2x2x3200xi32, #tpu.memory_space<vmem>> -> memref<1x1x3200xi32, #tpu.memory_space<vmem>>
        %dma_start3A_362 = tpu.memref_squeeze %dma_start3A_361 : memref<1x1x3200xi32, #tpu.memory_space<vmem>> -> memref<3200xi32, #tpu.memory_space<vmem>>
        %dma_start3A_363 = tpu.memref_slice %arg3[%dma_start3A_357, %mul3A_356] : memref<2x320000xi32, #tpu.memory_space<hbm>> -> memref<1x3200xi32, #tpu.memory_space<hbm>>
        %dma_start3A_364 = tpu.memref_squeeze %dma_start3A_363 : memref<1x3200xi32, #tpu.memory_space<hbm>> -> memref<3200xi32, #tpu.memory_space<hbm>>
        %dma_start3A_365 = arith.constant 0 : i32
        %dma_start3A_366 = tpu.memref_slice %arg13[%dma_start3A_358, %dma_start3A_359, %dma_start3A_365] : memref<2x2x3200xi32, #tpu.memory_space<vmem>> -> memref<1x1x3200xi32, #tpu.memory_space<vmem>>
        %dma_start3A_367 = tpu.memref_squeeze %dma_start3A_366 : memref<1x1x3200xi32, #tpu.memory_space<vmem>> -> memref<3200xi32, #tpu.memory_space<vmem>>
        %dma_start3A_368 = tpu.memref_slice %arg3[%dma_start3A_357, %mul3A_356] : memref<2x320000xi32, #tpu.memory_space<hbm>> -> memref<1x3200xi32, #tpu.memory_space<hbm>>
        %dma_start3A_369 = tpu.memref_squeeze %dma_start3A_368 : memref<1x3200xi32, #tpu.memory_space<hbm>> -> memref<3200xi32, #tpu.memory_space<hbm>>
        tpu.enqueue_dma source(%dma_start3A_369 : memref<3200xi32, #tpu.memory_space<hbm>>) target(%dma_start3A_367 : memref<3200xi32, #tpu.memory_space<vmem>>) target_semaphore(%arg17 : memref<!tpu.dma_semaphore, #tpu.memory_space<semaphore_mem>>)
        %dma_start3A_370 = arith.constant 1 : i32
        %dma_start3A_371 = arith.constant 0 : i32
        %dma_start3A_372 = arith.constant 1 : i32
        %dma_start3A_373 = arith.constant 0 : i32
        %dma_start3A_374 = tpu.memref_slice %arg13[%dma_start3A_371, %dma_start3A_372, %dma_start3A_373] : memref<2x2x3200xi32, #tpu.memory_space<vmem>> -> memref<1x1x3200xi32, #tpu.memory_space<vmem>>
        %dma_start3A_375 = tpu.memref_squeeze %dma_start3A_374 : memref<1x1x3200xi32, #tpu.memory_space<vmem>> -> memref<3200xi32, #tpu.memory_space<vmem>>
        %dma_start3A_376 = tpu.memref_slice %arg3[%dma_start3A_370, %mul3A_356] : memref<2x320000xi32, #tpu.memory_space<hbm>> -> memref<1x3200xi32, #tpu.memory_space<hbm>>
        %dma_start3A_377 = tpu.memref_squeeze %dma_start3A_376 : memref<1x3200xi32, #tpu.memory_space<hbm>> -> memref<3200xi32, #tpu.memory_space<hbm>>
        %dma_start3A_378 = arith.constant 0 : i32
        %dma_start3A_379 = tpu.memref_slice %arg13[%dma_start3A_371, %dma_start3A_372, %dma_start3A_378] : memref<2x2x3200xi32, #tpu.memory_space<vmem>> -> memref<1x1x3200xi32, #tpu.memory_space<vmem>>
        %dma_start3A_380 = tpu.memref_squeeze %dma_start3A_379 : memref<1x1x3200xi32, #tpu.memory_space<vmem>> -> memref<3200xi32, #tpu.memory_space<vmem>>
        %dma_start3A_381 = tpu.memref_slice %arg3[%dma_start3A_370, %mul3A_356] : memref<2x320000xi32, #tpu.memory_space<hbm>> -> memref<1x3200xi32, #tpu.memory_space<hbm>>
        %dma_start3A_382 = tpu.memref_squeeze %dma_start3A_381 : memref<1x3200xi32, #tpu.memory_space<hbm>> -> memref<3200xi32, #tpu.memory_space<hbm>>
        tpu.enqueue_dma source(%dma_start3A_382 : memref<3200xi32, #tpu.memory_space<hbm>>) target(%dma_start3A_380 : memref<3200xi32, #tpu.memory_space<vmem>>) target_semaphore(%arg17 : memref<!tpu.dma_semaphore, #tpu.memory_space<semaphore_mem>>)
      } else {
      }
      %mul3A_256 = arith.constant 2 : i32
      %mul3A_257 = arith.muli %scan3A_165, %mul3A_256 : i32
      %add3A_258 = arith.constant 1 : i32
      %add3A_259 = arith.addi %mul3A_257, %add3A_258 : i32
      %dma_wait3A_260 = arith.constant 0 : i32
      %dma_wait3A_261 = arith.constant 1 : i32
      %dma_wait3A_262 = arith.constant 0 : i32
      %dma_wait3A_263 = arith.constant 0 : i32
      %dma_wait3A_264 = tpu.memref_slice %arg13[%dma_wait3A_261, %dma_wait3A_262, %dma_wait3A_263] : memref<2x2x3200xi32, #tpu.memory_space<vmem>> -> memref<1x1x3200xi32, #tpu.memory_space<vmem>>
      %dma_wait3A_265 = tpu.memref_squeeze %dma_wait3A_264 : memref<1x1x3200xi32, #tpu.memory_space<vmem>> -> memref<3200xi32, #tpu.memory_space<vmem>>
      %dma_wait3A_266 = arith.constant 0 : i32
      %dma_wait3A_267 = tpu.memref_slice %arg3[%dma_wait3A_260, %dma_wait3A_266] : memref<2x320000xi32, #tpu.memory_space<hbm>> -> memref<1x3200xi32, #tpu.memory_space<hbm>>
      %dma_wait3A_268 = tpu.memref_squeeze %dma_wait3A_267 : memref<1x3200xi32, #tpu.memory_space<hbm>> -> memref<3200xi32, #tpu.memory_space<hbm>>
      %dma_wait3A_269 = arith.constant 0 : i32
      %dma_wait3A_270 = tpu.memref_slice %arg13[%dma_wait3A_261, %dma_wait3A_262, %dma_wait3A_269] : memref<2x2x3200xi32, #tpu.memory_space<vmem>> -> memref<1x1x3200xi32, #tpu.memory_space<vmem>>
      %dma_wait3A_271 = tpu.memref_squeeze %dma_wait3A_270 : memref<1x1x3200xi32, #tpu.memory_space<vmem>> -> memref<3200xi32, #tpu.memory_space<vmem>>
      %dma_wait3A_272 = arith.constant 0 : i32
      %dma_wait3A_273 = tpu.memref_slice %arg3[%dma_wait3A_260, %dma_wait3A_272] : memref<2x320000xi32, #tpu.memory_space<hbm>> -> memref<1x3200xi32, #tpu.memory_space<hbm>>
      %dma_wait3A_274 = tpu.memref_squeeze %dma_wait3A_273 : memref<1x3200xi32, #tpu.memory_space<hbm>> -> memref<3200xi32, #tpu.memory_space<hbm>>
      tpu.wait_dma2 semaphore(%arg18 : memref<!tpu.dma_semaphore, #tpu.memory_space<semaphore_mem>>) src(%dma_wait3A_274 : memref<3200xi32, #tpu.memory_space<hbm>>) dst(%dma_wait3A_271 : memref<3200xi32, #tpu.memory_space<vmem>>)
      %dma_wait3A_275 = arith.constant 1 : i32
      %dma_wait3A_276 = arith.constant 1 : i32
      %dma_wait3A_277 = arith.constant 1 : i32
      %dma_wait3A_278 = arith.constant 0 : i32
      %dma_wait3A_279 = tpu.memref_slice %arg13[%dma_wait3A_276, %dma_wait3A_277, %dma_wait3A_278] : memref<2x2x3200xi32, #tpu.memory_space<vmem>> -> memref<1x1x3200xi32, #tpu.memory_space<vmem>>
      %dma_wait3A_280 = tpu.memref_squeeze %dma_wait3A_279 : memref<1x1x3200xi32, #tpu.memory_space<vmem>> -> memref<3200xi32, #tpu.memory_space<vmem>>
      %dma_wait3A_281 = arith.constant 0 : i32
      %dma_wait3A_282 = tpu.memref_slice %arg3[%dma_wait3A_275, %dma_wait3A_281] : memref<2x320000xi32, #tpu.memory_space<hbm>> -> memref<1x3200xi32, #tpu.memory_space<hbm>>
      %dma_wait3A_283 = tpu.memref_squeeze %dma_wait3A_282 : memref<1x3200xi32, #tpu.memory_space<hbm>> -> memref<3200xi32, #tpu.memory_space<hbm>>
      %dma_wait3A_284 = arith.constant 0 : i32
      %dma_wait3A_285 = tpu.memref_slice %arg13[%dma_wait3A_276, %dma_wait3A_277, %dma_wait3A_284] : memref<2x2x3200xi32, #tpu.memory_space<vmem>> -> memref<1x1x3200xi32, #tpu.memory_space<vmem>>
      %dma_wait3A_286 = tpu.memref_squeeze %dma_wait3A_285 : memref<1x1x3200xi32, #tpu.memory_space<vmem>> -> memref<3200xi32, #tpu.memory_space<vmem>>
      %dma_wait3A_287 = arith.constant 0 : i32
      %dma_wait3A_288 = tpu.memref_slice %arg3[%dma_wait3A_275, %dma_wait3A_287] : memref<2x320000xi32, #tpu.memory_space<hbm>> -> memref<1x3200xi32, #tpu.memory_space<hbm>>
      %dma_wait3A_289 = tpu.memref_squeeze %dma_wait3A_288 : memref<1x3200xi32, #tpu.memory_space<hbm>> -> memref<3200xi32, #tpu.memory_space<hbm>>
      tpu.wait_dma2 semaphore(%arg18 : memref<!tpu.dma_semaphore, #tpu.memory_space<semaphore_mem>>) src(%dma_wait3A_289 : memref<3200xi32, #tpu.memory_space<hbm>>) dst(%dma_wait3A_286 : memref<3200xi32, #tpu.memory_space<vmem>>)
      %get3A_290 = arith.constant 1 : i32
      %get3A_291 = arith.constant 0 : i32
      %get3A_292 = arith.index_cast %get3A_290 : i32 to index
      %get3A_293 = arith.index_cast %get3A_291 : i32 to index
      %get3A_294 = arith.constant 0 : index
      %get3A_295 = tpu.vector_load %arg13[%get3A_292, %get3A_293, %get3A_294] {strides = array<i32>} : memref<2x2x3200xi32, #tpu.memory_space<vmem>>, vector<16xi32>,
      %get3A_296 = arith.constant 1 : i32
      %get3A_297 = arith.constant 1 : i32
      %get3A_298 = arith.index_cast %get3A_296 : i32 to index
      %get3A_299 = arith.index_cast %get3A_297 : i32 to index
      %get3A_300 = arith.constant 0 : index
      %get3A_301 = tpu.vector_load %arg13[%get3A_298, %get3A_299, %get3A_300] {strides = array<i32>} : memref<2x2x3200xi32, #tpu.memory_space<vmem>>, vector<16xi32>,
      %gather3A_302 = tpu.vector_load_idx %arg9[%get3A_295] : memref<10000xi32, #tpu.memory_space<vmem>>[vector<16xi32>], vector<16xi32>,
      %gather3A_303 = tpu.vector_load_idx %arg10[%get3A_295] : memref<10000xi32, #tpu.memory_space<vmem>>[vector<16xi32>], vector<16xi32>,
      tpu.vector_store_idx %arg14[%get3A_301], %iota3A : memref<10000xi32, #tpu.memory_space<vmem>>[vector<16xi32>], vector<16xi32>,
      %gather3A_304 = tpu.vector_load_idx %arg14[%get3A_301] : memref<10000xi32, #tpu.memory_space<vmem>>[vector<16xi32>], vector<16xi32>,
      %eq3A_305 = arith.cmpi eq, %gather3A_304, %iota3A : vector<16xi32>
      %not3A_306 = arith.constant dense<true> : vector<16xi1>
      %not3A_307 = arith.xori %eq3A_305, %not3A_306 : vector<16xi1>
      %all_reduce_population_count3A_308 = tpu.all_reduce %not3A_307 {dim = 0 : i64, kind = #tpu.reduction_kind<sum>} : vector<16xi1> -> vector<16xi32>
      %add3A_309 = arith.constant 0 : i32
      %add3A_310 = vector.broadcast %add3A_309 : i32 to vector<16xi32>
      %add3A_311 = arith.addi %broadcast_in_dim3A_82, %add3A_310 : vector<16xi32>
      tpu.vector_store_idx %arg16[%add3A_311], %all_reduce_population_count3A_308 masked %eq3A_80 : memref<224xi32, #tpu.memory_space<vmem>>[vector<16xi32>], vector<16xi32>, vector<16xi1>
      %get3A_312 = arith.constant 1 : i32
      %get3A_313 = arith.constant 0 : i32
      %get3A_314 = arith.index_cast %get3A_312 : i32 to index
      %get3A_315 = arith.index_cast %get3A_313 : i32 to index
      %get3A_316 = arith.constant 16 : index
      %get3A_317 = tpu.vector_load %arg13[%get3A_314, %get3A_315, %get3A_316] {strides = array<i32>} : memref<2x2x3200xi32, #tpu.memory_space<vmem>>, vector<16xi32>,
      %get3A_318 = arith.constant 1 : i32
      %get3A_319 = arith.constant 1 : i32
      %get3A_320 = arith.index_cast %get3A_318 : i32 to index
      %get3A_321 = arith.index_cast %get3A_319 : i32 to index
      %get3A_322 = arith.constant 16 : index
      %get3A_323 = tpu.vector_load %arg13[%get3A_320, %get3A_321, %get3A_322] {strides = array<i32>} : memref<2x2x3200xi32, #tpu.memory_space<vmem>>, vector<16xi32>,
      %gather3A_324 = tpu.vector_load_idx %arg9[%get3A_317] : memref<10000xi32, #tpu.memory_space<vmem>>[vector<16xi32>], vector<16xi32>,
      %gather3A_325 = tpu.vector_load_idx %arg10[%get3A_317] : memref<10000xi32, #tpu.memory_space<vmem>>[vector<16xi32>], vector<16xi32>,
      tpu.vector_store_idx %arg15[%get3A_323], %iota3A : memref<10000xi32, #tpu.memory_space<vmem>>[vector<16xi32>], vector<16xi32>,
      %gather3A_326 = tpu.vector_load_idx %arg15[%get3A_323] : memref<10000xi32, #tpu.memory_space<vmem>>[vector<16xi32>], vector<16xi32>,
      %eq3A_327 = arith.cmpi eq, %gather3A_326, %iota3A : vector<16xi32>
      %not3A_328 = arith.constant dense<true> : vector<16xi1>
      %not3A_329 = arith.xori %eq3A_327, %not3A_328 : vector<16xi1>
      %all_reduce_population_count3A_330 = tpu.all_reduce %not3A_329 {dim = 0 : i64, kind = #tpu.reduction_kind<sum>} : vector<16xi1> -> vector<16xi32>
      %add3A_331 = arith.constant 1 : i32
      %add3A_332 = vector.broadcast %add3A_331 : i32 to vector<16xi32>
      %add3A_333 = arith.addi %broadcast_in_dim3A_82, %add3A_332 : vector<16xi32>
      tpu.vector_store_idx %arg16[%add3A_333], %all_reduce_population_count3A_330 masked %eq3A_80 : memref<224xi32, #tpu.memory_space<vmem>>[vector<16xi32>], vector<16xi32>, vector<16xi1>
      %scan3A_334 = arith.constant 0 : i32
      %scan3A_335 = arith.constant 100 : i32
      %scan3A_336 = arith.addi %scan3A_334, %scan3A_335 : i32
      %scan3A_337 = arith.constant 1 : i32
      %scan3A_338:8 = scf.for %scan3A_353 = %scan3A_334 to %scan3A_336 step %scan3A_337 iter_args(%scan3A_354 = %get3A_301, %scan3A_355 = %eq3A_305, %scan3A_356 = %gather3A_302, %scan3A_357 = %gather3A_303, %scan3A_358 = %get3A_323, %scan3A_359 = %eq3A_327, %scan3A_360 = %gather3A_324, %scan3A_361 = %gather3A_325) -> (vector<16xi32>, vector<16xi1>, vector<16xi32>, vector<16xi32>, vector<16xi32>, vector<16xi1>, vector<16xi32>, vector<16xi32>)  : i32 {
        %add3A_362 = arith.constant 1 : i32
        %add3A_363 = arith.addi %scan3A_353, %add3A_362 : i32
        %min3A = arith.constant 99 : i32
        %min3A_364 = arith.minsi %add3A_363, %min3A : i32
        %mul3A_365 = arith.constant 2 : i32
        %mul3A_366 = arith.muli %min3A_364, %mul3A_365 : i32
        %add3A_367 = arith.constant 1 : i32
        %add3A_368 = arith.addi %mul3A_366, %add3A_367 : i32
        %mul3A_369 = arith.constant 16 : i32
        %mul3A_370 = arith.muli %mul3A_366, %mul3A_369 : i32
        %get3A_371 = arith.constant 1 : i32
        %get3A_372 = arith.constant 0 : i32
        %get3A_373 = arith.index_cast %get3A_371 : i32 to index
        %get3A_374 = arith.index_cast %get3A_372 : i32 to index
        %get3A_375 = arith.index_cast %mul3A_370 : i32 to index
        %get3A_376 = tpu.vector_load %arg13[%get3A_373, %get3A_374, %get3A_375] {strides = array<i32>} : memref<2x2x3200xi32, #tpu.memory_space<vmem>>, vector<16xi32>,
        %mul3A_377 = arith.constant 16 : i32
        %mul3A_378 = arith.muli %mul3A_366, %mul3A_377 : i32
        %get3A_379 = arith.constant 1 : i32
        %get3A_380 = arith.constant 1 : i32
        %get3A_381 = arith.index_cast %get3A_379 : i32 to index
        %get3A_382 = arith.index_cast %get3A_380 : i32 to index
        %get3A_383 = arith.index_cast %mul3A_378 : i32 to index
        %get3A_384 = tpu.vector_load %arg13[%get3A_381, %get3A_382, %get3A_383] {strides = array<i32>} : memref<2x2x3200xi32, #tpu.memory_space<vmem>>, vector<16xi32>,
        %mul3A_385 = arith.constant 16 : i32
        %mul3A_386 = arith.muli %add3A_368, %mul3A_385 : i32
        %get3A_387 = arith.constant 1 : i32
        %get3A_388 = arith.constant 0 : i32
        %get3A_389 = arith.index_cast %get3A_387 : i32 to index
        %get3A_390 = arith.index_cast %get3A_388 : i32 to index
        %get3A_391 = arith.index_cast %mul3A_386 : i32 to index
        %get3A_392 = tpu.vector_load %arg13[%get3A_389, %get3A_390, %get3A_391] {strides = array<i32>} : memref<2x2x3200xi32, #tpu.memory_space<vmem>>, vector<16xi32>,
        %mul3A_393 = arith.constant 16 : i32
        %mul3A_394 = arith.muli %add3A_368, %mul3A_393 : i32
        %get3A_395 = arith.constant 1 : i32
        %get3A_396 = arith.constant 1 : i32
        %get3A_397 = arith.index_cast %get3A_395 : i32 to index
        %get3A_398 = arith.index_cast %get3A_396 : i32 to index
        %get3A_399 = arith.index_cast %mul3A_394 : i32 to index
        %get3A_400 = tpu.vector_load %arg13[%get3A_397, %get3A_398, %get3A_399] {strides = array<i32>} : memref<2x2x3200xi32, #tpu.memory_space<vmem>>, vector<16xi32>,
        tpu.vector_store_idx %arg14[%get3A_384], %iota3A : memref<10000xi32, #tpu.memory_space<vmem>>[vector<16xi32>], vector<16xi32>,
        tpu.vector_store_idx %arg15[%get3A_400], %iota3A : memref<10000xi32, #tpu.memory_space<vmem>>[vector<16xi32>], vector<16xi32>,
        %gather3A_401 = tpu.vector_load_idx %arg9[%get3A_376] : memref<10000xi32, #tpu.memory_space<vmem>>[vector<16xi32>], vector<16xi32>,
        %gather3A_402 = tpu.vector_load_idx %arg10[%get3A_376] : memref<10000xi32, #tpu.memory_space<vmem>>[vector<16xi32>], vector<16xi32>,
        %gather3A_403 = tpu.vector_load_idx %arg9[%get3A_392] : memref<10000xi32, #tpu.memory_space<vmem>>[vector<16xi32>], vector<16xi32>,
        %gather3A_404 = tpu.vector_load_idx %arg10[%get3A_392] : memref<10000xi32, #tpu.memory_space<vmem>>[vector<16xi32>], vector<16xi32>,
        %gather3A_405 = tpu.vector_load_idx %arg14[%get3A_384] : memref<10000xi32, #tpu.memory_space<vmem>>[vector<16xi32>], vector<16xi32>,
        %gather3A_406 = tpu.vector_load_idx %arg15[%get3A_400] : memref<10000xi32, #tpu.memory_space<vmem>>[vector<16xi32>], vector<16xi32>,
        %gather3A_407 = tpu.vector_load_idx %arg11[%scan3A_354] : memref<10000xi32, #tpu.memory_space<vmem>>[vector<16xi32>], vector<16xi32>,
        %gather3A_408 = tpu.vector_load_idx %arg12[%scan3A_354] : memref<10000xi32, #tpu.memory_space<vmem>>[vector<16xi32>], vector<16xi32>,
        %bitcast3A_409 = vector.bitcast %gather3A_407 : vector<16xi32> to vector<32xbf16>
        %bitcast3A_410 = vector.bitcast %scan3A_356 : vector<16xi32> to vector<32xbf16>
        %max3A = arith.maximumf %bitcast3A_409, %bitcast3A_410 : vector<32xbf16>
        %bitcast3A_411 = vector.bitcast %max3A : vector<32xbf16> to vector<16xi32>
        %bitcast3A_412 = vector.bitcast %gather3A_408 : vector<16xi32> to vector<32xbf16>
        %bitcast3A_413 = vector.bitcast %scan3A_357 : vector<16xi32> to vector<32xbf16>
        %max3A_414 = arith.maximumf %bitcast3A_412, %bitcast3A_413 : vector<32xbf16>
        %bitcast3A_415 = vector.bitcast %max3A_414 : vector<32xbf16> to vector<16xi32>
        tpu.vector_store_idx %arg11[%scan3A_354], %bitcast3A_411 masked %scan3A_355 : memref<10000xi32, #tpu.memory_space<vmem>>[vector<16xi32>], vector<16xi32>, vector<16xi1>
        tpu.vector_store_idx %arg12[%scan3A_354], %bitcast3A_415 masked %scan3A_355 : memref<10000xi32, #tpu.memory_space<vmem>>[vector<16xi32>], vector<16xi32>, vector<16xi1>
        %eq3A_416 = arith.cmpi eq, %gather3A_405, %iota3A : vector<16xi32>
        %eq3A_417 = arith.cmpi eq, %gather3A_406, %iota3A : vector<16xi32>
        %not3A_418 = arith.constant dense<true> : vector<16xi1>
        %not3A_419 = arith.xori %eq3A_416, %not3A_418 : vector<16xi1>
        %all_reduce_population_count3A_420 = tpu.all_reduce %not3A_419 {dim = 0 : i64, kind = #tpu.reduction_kind<sum>} : vector<16xi1> -> vector<16xi32>
        %not3A_421 = arith.constant dense<true> : vector<16xi1>
        %not3A_422 = arith.xori %eq3A_417, %not3A_421 : vector<16xi1>
        %all_reduce_population_count3A_423 = tpu.all_reduce %not3A_422 {dim = 0 : i64, kind = #tpu.reduction_kind<sum>} : vector<16xi1> -> vector<16xi32>
        %add3A_424 = vector.broadcast %mul3A_366 : i32 to vector<16xi32>
        %add3A_425 = arith.addi %broadcast_in_dim3A_82, %add3A_424 : vector<16xi32>
        tpu.vector_store_idx %arg16[%add3A_425], %all_reduce_population_count3A_420 masked %eq3A_80 : memref<224xi32, #tpu.memory_space<vmem>>[vector<16xi32>], vector<16xi32>, vector<16xi1>
        %add3A_426 = vector.broadcast %add3A_368 : i32 to vector<16xi32>
        %add3A_427 = arith.addi %broadcast_in_dim3A_82, %add3A_426 : vector<16xi32>
        tpu.vector_store_idx %arg16[%add3A_427], %all_reduce_population_count3A_423 masked %eq3A_80 : memref<224xi32, #tpu.memory_space<vmem>>[vector<16xi32>], vector<16xi32>, vector<16xi1>
        %gather3A_428 = tpu.vector_load_idx %arg11[%scan3A_358] : memref<10000xi32, #tpu.memory_space<vmem>>[vector<16xi32>], vector<16xi32>,
        %gather3A_429 = tpu.vector_load_idx %arg12[%scan3A_358] : memref<10000xi32, #tpu.memory_space<vmem>>[vector<16xi32>], vector<16xi32>,
        %bitcast3A_430 = vector.bitcast %gather3A_428 : vector<16xi32> to vector<32xbf16>
        %bitcast3A_431 = vector.bitcast %scan3A_360 : vector<16xi32> to vector<32xbf16>
        %max3A_432 = arith.maximumf %bitcast3A_430, %bitcast3A_431 : vector<32xbf16>
        %bitcast3A_433 = vector.bitcast %max3A_432 : vector<32xbf16> to vector<16xi32>
        %bitcast3A_434 = vector.bitcast %gather3A_429 : vector<16xi32> to vector<32xbf16>
        %bitcast3A_435 = vector.bitcast %scan3A_361 : vector<16xi32> to vector<32xbf16>
        %max3A_436 = arith.maximumf %bitcast3A_434, %bitcast3A_435 : vector<32xbf16>
        %bitcast3A_437 = vector.bitcast %max3A_436 : vector<32xbf16> to vector<16xi32>
        tpu.vector_store_idx %arg11[%scan3A_358], %bitcast3A_433 masked %scan3A_359 : memref<10000xi32, #tpu.memory_space<vmem>>[vector<16xi32>], vector<16xi32>, vector<16xi1>
        tpu.vector_store_idx %arg12[%scan3A_358], %bitcast3A_437 masked %scan3A_359 : memref<10000xi32, #tpu.memory_space<vmem>>[vector<16xi32>], vector<16xi32>, vector<16xi1>
        scf.yield %get3A_384, %eq3A_416, %gather3A_401, %gather3A_402, %get3A_400, %eq3A_417, %gather3A_403, %gather3A_404 : vector<16xi32>, vector<16xi1>, vector<16xi32>, vector<16xi32>, vector<16xi32>, vector<16xi1>, vector<16xi32>, vector<16xi32>
      }
      %scan3A_339 = arith.constant 100 : i32
      %scan3A_340 = arith.constant 0 : i32
      %scan3A_341 = arith.constant 0 : i32
      %scan3A_342 = arith.constant 13 : i32
      %scan3A_343 = arith.addi %scan3A_341, %scan3A_342 : i32
      %scan3A_344 = arith.constant 1 : i32
      scf.for %scan3A_353 = %scan3A_341 to %scan3A_343 step %scan3A_344  : i32 {
        %mul3A_354 = arith.constant 16 : i32
        %mul3A_355 = arith.muli %scan3A_353, %mul3A_354 : i32
        %get3A_356 = arith.index_cast %mul3A_355 : i32 to index
        %get3A_357 = tpu.vector_load %arg16[%get3A_356] {strides = array<i32>} : memref<224xi32, #tpu.memory_space<vmem>>, vector<16xi32>,
        %ne3A = arith.constant 0 : i32
        %ne3A_358 = vector.broadcast %ne3A : i32 to vector<16xi32>
        %ne3A_359 = arith.cmpi ne, %get3A_357, %ne3A_358 : vector<16xi32>
        %reduce_or3A = arith.constant 1.000000e+00 : f32
        %reduce_or3A_360 = arith.constant 0.000000e+00 : f32
        %reduce_or3A_361 = vector.broadcast %reduce_or3A : f32 to vector<16xf32>
        %reduce_or3A_362 = vector.broadcast %reduce_or3A_360 : f32 to vector<16xf32>
        %reduce_or3A_363 = arith.select %ne3A_359, %reduce_or3A_361, %reduce_or3A_362 : vector<16xi1>, vector<16xf32>
        %reduce_or3A_364 = arith.constant true
        %reduce_or3A_365 = vector.broadcast %reduce_or3A_364 : i1 to vector<16xi1>
        %reduce_or3A_366 = tpu.scan <max>, %reduce_or3A_363 masked %reduce_or3A_365 : vector<16xf32>, vector<16xi1> -> vector<16xf32>
        %reduce_or3A_367 = vector.extract %reduce_or3A_366[15] : f32 from vector<16xf32>
        %reduce_or3A_368 = arith.constant 0.000000e+00 : f32
        %reduce_or3A_369 = arith.cmpf ogt, %reduce_or3A_367, %reduce_or3A_368 : f32
        %convert_element_type3A_370 = arith.extui %reduce_or3A_369 : i1 to i32
        %cond3A_371 = arith.constant 0 : i32
        %cond3A_372 = arith.cmpi ne, %convert_element_type3A_370, %cond3A_371 : i32
        scf.if %cond3A_372 {
          %scan3A_373 = arith.constant 0 : i32
          %scan3A_374 = arith.constant 0 : i32
          %scan3A_375 = arith.constant 16 : i32
          %scan3A_376 = arith.addi %scan3A_374, %scan3A_375 : i32
          %scan3A_377 = arith.constant 1 : i32
          scf.for %scan3A_379 = %scan3A_374 to %scan3A_376 step %scan3A_377  : i32 {
            %mul3A_380 = arith.constant 16 : i32
            %mul3A_381 = arith.muli %scan3A_353, %mul3A_380 : i32
            %add3A_382 = arith.addi %mul3A_381, %scan3A_379 : i32
            %get3A_383 = arith.index_cast %add3A_382 : i32 to index
            %get3A_384 = tpu.vector_load %arg16[%get3A_383] {strides = array<i32>} : memref<224xi32, #tpu.memory_space<vmem>>, vector<16xi32>,
            %slice3A = vector.extract_strided_slice %get3A_384 {offsets = [0], sizes = [1], strides = [1]} : vector<16xi32> to vector<1xi32>
            %squeeze3A = vector.extract %slice3A[0] : i32 from vector<1xi32>
            %ne3A_385 = arith.constant 0 : i32
            %ne3A_386 = arith.cmpi ne, %squeeze3A, %ne3A_385 : i32
            %convert_element_type3A_387 = arith.extui %ne3A_386 : i1 to i32
            %cond3A_388 = arith.constant 0 : i32
            %cond3A_389 = arith.cmpi ne, %convert_element_type3A_387, %cond3A_388 : i32
            scf.if %cond3A_389 {
              %mul3A_390 = arith.constant 16 : i32
              %mul3A_391 = arith.muli %add3A_382, %mul3A_390 : i32
              %get3A_392 = arith.constant 1 : i32
              %get3A_393 = arith.constant 0 : i32
              %get3A_394 = arith.index_cast %get3A_392 : i32 to index
              %get3A_395 = arith.index_cast %get3A_393 : i32 to index
              %get3A_396 = arith.index_cast %mul3A_391 : i32 to index
              %get3A_397 = tpu.vector_load %arg13[%get3A_394, %get3A_395, %get3A_396] {strides = array<i32>} : memref<2x2x3200xi32, #tpu.memory_space<vmem>>, vector<16xi32>,
              %get3A_398 = arith.constant 1 : i32
              %get3A_399 = arith.constant 1 : i32
              %get3A_400 = arith.index_cast %get3A_398 : i32 to index
              %get3A_401 = arith.index_cast %get3A_399 : i32 to index
              %get3A_402 = arith.index_cast %mul3A_391 : i32 to index
              %get3A_403 = tpu.vector_load %arg13[%get3A_400, %get3A_401, %get3A_402] {strides = array<i32>} : memref<2x2x3200xi32, #tpu.memory_space<vmem>>, vector<16xi32>,
              %gather3A_404 = tpu.vector_load_idx %arg9[%get3A_397] : memref<10000xi32, #tpu.memory_space<vmem>>[vector<16xi32>], vector<16xi32>,
              %gather3A_405 = tpu.vector_load_idx %arg10[%get3A_397] : memref<10000xi32, #tpu.memory_space<vmem>>[vector<16xi32>], vector<16xi32>,
              %broadcast_in_dim3A_406 = arith.constant true
              %broadcast_in_dim3A_407 = vector.broadcast %broadcast_in_dim3A_406 : i1 to vector<16xi1>
              %unique3A, %unique3A_408 = tpu.scan_count mask(%broadcast_in_dim3A_407 : vector<16xi1>) value(%get3A_403 : vector<16xi32>) : vector<16xi1>, vector<16xi32>
              %reduce_max3A = arith.constant true
              %reduce_max3A_409 = vector.broadcast %reduce_max3A : i1 to vector<16xi1>
              %reduce_max3A_410 = arith.constant -2147483648 : i32
              %reduce_max3A_411 = vector.broadcast %reduce_max3A_410 : i32 to vector<16xi32>
              %reduce_max3A_412 = arith.xori %unique3A_408, %reduce_max3A_411 : vector<16xi32>
              %reduce_max3A_413 = tpu.scan <max>, %reduce_max3A_412 masked %reduce_max3A_409 : vector<16xi32>, vector<16xi1> -> vector<16xi32>
              %reduce_max3A_414 = arith.xori %reduce_max3A_413, %reduce_max3A_411 : vector<16xi32>
              %reduce_max3A_415 = vector.extract %reduce_max3A_414[15] : i32 from vector<16xi32>
              %add3A_416 = arith.constant 1 : i32
              %add3A_417 = arith.addi %reduce_max3A_415, %add3A_416 : i32
              %while3A = arith.constant 0 : i32
              %while3A_418 = arith.constant 0 : i32
              %while3A_419 = arith.subi %add3A_417, %while3A_418 : i32
              %while3A_420 = arith.addi %while3A_418, %while3A_419 : i32
              %while3A_421 = arith.constant 1 : i32
              %while3A_422 = arith.divsi %while3A_419, %while3A_421 : i32
              %while3A_423 = arith.muli %while3A_422, %while3A_421 : i32
              %while3A_424 = arith.addi %while3A_418, %while3A_423 : i32
              %while3A_425 = arith.constant 1 : i32
              scf.for %while3A_427 = %while3A_418 to %while3A_424 step %while3A_425  : i32 {
                %eq3A_428 = vector.broadcast %while3A_427 : i32 to vector<16xi32>
                %eq3A_429 = arith.cmpi eq, %unique3A_408, %eq3A_428 : vector<16xi32>
                %gather3A_430 = tpu.vector_load_idx %arg11[%get3A_403] : memref<10000xi32, #tpu.memory_space<vmem>>[vector<16xi32>], vector<16xi32>,
                %gather3A_431 = tpu.vector_load_idx %arg12[%get3A_403] : memref<10000xi32, #tpu.memory_space<vmem>>[vector<16xi32>], vector<16xi32>,
                %bitcast3A_432 = vector.bitcast %gather3A_430 : vector<16xi32> to vector<32xbf16>
                %bitcast3A_433 = vector.bitcast %gather3A_404 : vector<16xi32> to vector<32xbf16>
                %max3A = arith.maximumf %bitcast3A_432, %bitcast3A_433 : vector<32xbf16>
                %bitcast3A_434 = vector.bitcast %max3A : vector<32xbf16> to vector<16xi32>
                %bitcast3A_435 = vector.bitcast %gather3A_431 : vector<16xi32> to vector<32xbf16>
                %bitcast3A_436 = vector.bitcast %gather3A_405 : vector<16xi32> to vector<32xbf16>
                %max3A_437 = arith.maximumf %bitcast3A_435, %bitcast3A_436 : vector<32xbf16>
                %bitcast3A_438 = vector.bitcast %max3A_437 : vector<32xbf16> to vector<16xi32>
                tpu.vector_store_idx %arg11[%get3A_403], %bitcast3A_434 masked %eq3A_429 : memref<10000xi32, #tpu.memory_space<vmem>>[vector<16xi32>], vector<16xi32>, vector<16xi1>
                tpu.vector_store_idx %arg12[%get3A_403], %bitcast3A_438 masked %eq3A_429 : memref<10000xi32, #tpu.memory_space<vmem>>[vector<16xi32>], vector<16xi32>, vector<16xi1>
              }
              %while3A_426 = arith.constant 1 : i32
              scf.for %while3A_427 = %while3A_424 to %while3A_420 step %while3A_426  : i32 {
                %eq3A_428 = vector.broadcast %while3A_427 : i32 to vector<16xi32>
                %eq3A_429 = arith.cmpi eq, %unique3A_408, %eq3A_428 : vector<16xi32>
                %gather3A_430 = tpu.vector_load_idx %arg11[%get3A_403] : memref<10000xi32, #tpu.memory_space<vmem>>[vector<16xi32>], vector<16xi32>,
                %gather3A_431 = tpu.vector_load_idx %arg12[%get3A_403] : memref<10000xi32, #tpu.memory_space<vmem>>[vector<16xi32>], vector<16xi32>,
                %bitcast3A_432 = vector.bitcast %gather3A_430 : vector<16xi32> to vector<32xbf16>
                %bitcast3A_433 = vector.bitcast %gather3A_404 : vector<16xi32> to vector<32xbf16>
                %max3A = arith.maximumf %bitcast3A_432, %bitcast3A_433 : vector<32xbf16>
                %bitcast3A_434 = vector.bitcast %max3A : vector<32xbf16> to vector<16xi32>
                %bitcast3A_435 = vector.bitcast %gather3A_431 : vector<16xi32> to vector<32xbf16>
                %bitcast3A_436 = vector.bitcast %gather3A_405 : vector<16xi32> to vector<32xbf16>
                %max3A_437 = arith.maximumf %bitcast3A_435, %bitcast3A_436 : vector<32xbf16>
                %bitcast3A_438 = vector.bitcast %max3A_437 : vector<32xbf16> to vector<16xi32>
                tpu.vector_store_idx %arg11[%get3A_403], %bitcast3A_434 masked %eq3A_429 : memref<10000xi32, #tpu.memory_space<vmem>>[vector<16xi32>], vector<16xi32>, vector<16xi1>
                tpu.vector_store_idx %arg12[%get3A_403], %bitcast3A_438 masked %eq3A_429 : memref<10000xi32, #tpu.memory_space<vmem>>[vector<16xi32>], vector<16xi32>, vector<16xi1>
              }
            } else {
            }
          }
          %scan3A_378 = arith.constant 16 : i32
        } else {
        }
      }
      %scan3A_345 = arith.constant 13 : i32
      %add3A_346 = arith.constant 2 : i32
      %add3A_347 = arith.addi %add3A_259, %add3A_346 : i32
      %lt3A_348 = arith.constant 100 : i32
      %lt3A_349 = arith.cmpi slt, %add3A_347, %lt3A_348 : i32
      %convert_element_type3A_350 = arith.extui %lt3A_349 : i1 to i32
      %cond3A_351 = arith.constant 0 : i32
      %cond3A_352 = arith.cmpi ne, %convert_element_type3A_350, %cond3A_351 : i32
      scf.if %cond3A_352 {
        %add3A_353 = arith.constant 2 : i32
        %add3A_354 = arith.addi %add3A_259, %add3A_353 : i32
        %mul3A_355 = arith.constant 3200 : i32
        %mul3A_356 = arith.muli %add3A_354, %mul3A_355 : i32
        %dma_start3A_357 = arith.constant 0 : i32
        %dma_start3A_358 = arith.constant 1 : i32
        %dma_start3A_359 = arith.constant 0 : i32
        %dma_start3A_360 = arith.constant 0 : i32
        %dma_start3A_361 = tpu.memref_slice %arg13[%dma_start3A_358, %dma_start3A_359, %dma_start3A_360] : memref<2x2x3200xi32, #tpu.memory_space<vmem>> -> memref<1x1x3200xi32, #tpu.memory_space<vmem>>
        %dma_start3A_362 = tpu.memref_squeeze %dma_start3A_361 : memref<1x1x3200xi32, #tpu.memory_space<vmem>> -> memref<3200xi32, #tpu.memory_space<vmem>>
        %dma_start3A_363 = tpu.memref_slice %arg3[%dma_start3A_357, %mul3A_356] : memref<2x320000xi32, #tpu.memory_space<hbm>> -> memref<1x3200xi32, #tpu.memory_space<hbm>>
        %dma_start3A_364 = tpu.memref_squeeze %dma_start3A_363 : memref<1x3200xi32, #tpu.memory_space<hbm>> -> memref<3200xi32, #tpu.memory_space<hbm>>
        %dma_start3A_365 = arith.constant 0 : i32
        %dma_start3A_366 = tpu.memref_slice %arg13[%dma_start3A_358, %dma_start3A_359, %dma_start3A_365] : memref<2x2x3200xi32, #tpu.memory_space<vmem>> -> memref<1x1x3200xi32, #tpu.memory_space<vmem>>
        %dma_start3A_367 = tpu.memref_squeeze %dma_start3A_366 : memref<1x1x3200xi32, #tpu.memory_space<vmem>> -> memref<3200xi32, #tpu.memory_space<vmem>>
        %dma_start3A_368 = tpu.memref_slice %arg3[%dma_start3A_357, %mul3A_356] : memref<2x320000xi32, #tpu.memory_space<hbm>> -> memref<1x3200xi32, #tpu.memory_space<hbm>>
        %dma_start3A_369 = tpu.memref_squeeze %dma_start3A_368 : memref<1x3200xi32, #tpu.memory_space<hbm>> -> memref<3200xi32, #tpu.memory_space<hbm>>
        tpu.enqueue_dma source(%dma_start3A_369 : memref<3200xi32, #tpu.memory_space<hbm>>) target(%dma_start3A_367 : memref<3200xi32, #tpu.memory_space<vmem>>) target_semaphore(%arg18 : memref<!tpu.dma_semaphore, #tpu.memory_space<semaphore_mem>>)
        %dma_start3A_370 = arith.constant 1 : i32
        %dma_start3A_371 = arith.constant 1 : i32
        %dma_start3A_372 = arith.constant 1 : i32
        %dma_start3A_373 = arith.constant 0 : i32
        %dma_start3A_374 = tpu.memref_slice %arg13[%dma_start3A_371, %dma_start3A_372, %dma_start3A_373] : memref<2x2x3200xi32, #tpu.memory_space<vmem>> -> memref<1x1x3200xi32, #tpu.memory_space<vmem>>
        %dma_start3A_375 = tpu.memref_squeeze %dma_start3A_374 : memref<1x1x3200xi32, #tpu.memory_space<vmem>> -> memref<3200xi32, #tpu.memory_space<vmem>>
        %dma_start3A_376 = tpu.memref_slice %arg3[%dma_start3A_370, %mul3A_356] : memref<2x320000xi32, #tpu.memory_space<hbm>> -> memref<1x3200xi32, #tpu.memory_space<hbm>>
        %dma_start3A_377 = tpu.memref_squeeze %dma_start3A_376 : memref<1x3200xi32, #tpu.memory_space<hbm>> -> memref<3200xi32, #tpu.memory_space<hbm>>
        %dma_start3A_378 = arith.constant 0 : i32
        %dma_start3A_379 = tpu.memref_slice %arg13[%dma_start3A_371, %dma_start3A_372, %dma_start3A_378] : memref<2x2x3200xi32, #tpu.memory_space<vmem>> -> memref<1x1x3200xi32, #tpu.memory_space<vmem>>
        %dma_start3A_380 = tpu.memref_squeeze %dma_start3A_379 : memref<1x1x3200xi32, #tpu.memory_space<vmem>> -> memref<3200xi32, #tpu.memory_space<vmem>>
        %dma_start3A_381 = tpu.memref_slice %arg3[%dma_start3A_370, %mul3A_356] : memref<2x320000xi32, #tpu.memory_space<hbm>> -> memref<1x3200xi32, #tpu.memory_space<hbm>>
        %dma_start3A_382 = tpu.memref_squeeze %dma_start3A_381 : memref<1x3200xi32, #tpu.memory_space<hbm>> -> memref<3200xi32, #tpu.memory_space<hbm>>
        tpu.enqueue_dma source(%dma_start3A_382 : memref<3200xi32, #tpu.memory_space<hbm>>) target(%dma_start3A_380 : memref<3200xi32, #tpu.memory_space<vmem>>) target_semaphore(%arg18 : memref<!tpu.dma_semaphore, #tpu.memory_space<semaphore_mem>>)
      } else {
      }
    }
    %scan3A_148 = arith.constant 50 : i32
    %broadcast_in_dim3A_149 = arith.constant 0.000000e+00 : f32
    %broadcast_in_dim3A_150 = vector.broadcast %broadcast_in_dim3A_149 : f32 to vector<16xf32>
    %scan3A_151 = arith.constant 0 : i32
    %scan3A_152 = arith.constant 0 : i32
    %scan3A_153 = arith.constant 625 : i32
    %scan3A_154 = arith.addi %scan3A_152, %scan3A_153 : i32
    %scan3A_155 = arith.constant 1 : i32
    scf.for %scan3A_165 = %scan3A_152 to %scan3A_154 step %scan3A_155  : i32 {
      %mul3A_166 = arith.constant 16 : i32
      %mul3A_167 = arith.muli %scan3A_165, %mul3A_166 : i32
      %get3A = arith.index_cast %mul3A_167 : i32 to index
      %get3A_168 = tpu.vector_load %arg11[%get3A] {strides = array<i32>} : memref<10000xi32, #tpu.memory_space<vmem>>, vector<16xi32>,
      %bitcast3A_169 = vector.bitcast %get3A_168 : vector<16xi32> to vector<32xbf16>
      %unpack3A = tpu.unpack_subelements %bitcast3A_169, 0 {pack_format = #tpu.pack_format<interleaved>} : vector<32xbf16> -> vector<16xf32>
      %unpack3A_170 = tpu.unpack_subelements %bitcast3A_169, 1 {pack_format = #tpu.pack_format<interleaved>} : vector<32xbf16> -> vector<16xf32>
      %eq3A_171 = arith.constant 0xFF800000 : f32
      %eq3A_172 = vector.broadcast %eq3A_171 : f32 to vector<16xf32>
      %eq3A_173 = arith.cmpf oeq, %unpack3A, %eq3A_172 : vector<16xf32>
      %select_n3A = arith.select %eq3A_173, %broadcast_in_dim3A_150, %unpack3A : vector<16xi1>, vector<16xf32>
      %swap3A = arith.index_cast %mul3A_167 : i32 to index
      %swap3A_174 = tpu.vector_load %arg5[%swap3A] {strides = array<i32>} : memref<10000xf32, #tpu.memory_space<vmem>>, vector<16xf32>,
      tpu.vector_store %arg5[%swap3A], %select_n3A {strides = array<i32>} : memref<10000xf32, #tpu.memory_space<vmem>>, vector<16xf32>,
      %eq3A_175 = arith.constant 0xFF800000 : f32
      %eq3A_176 = vector.broadcast %eq3A_175 : f32 to vector<16xf32>
      %eq3A_177 = arith.cmpf oeq, %unpack3A_170, %eq3A_176 : vector<16xf32>
      %select_n3A_178 = arith.select %eq3A_177, %broadcast_in_dim3A_150, %unpack3A_170 : vector<16xi1>, vector<16xf32>
      %swap3A_179 = arith.index_cast %mul3A_167 : i32 to index
      %swap3A_180 = tpu.vector_load %arg6[%swap3A_179] {strides = array<i32>} : memref<10000xf32, #tpu.memory_space<vmem>>, vector<16xf32>,
      tpu.vector_store %arg6[%swap3A_179], %select_n3A_178 {strides = array<i32>} : memref<10000xf32, #tpu.memory_space<vmem>>, vector<16xf32>,
      %get3A_181 = arith.index_cast %mul3A_167 : i32 to index
      %get3A_182 = tpu.vector_load %arg12[%get3A_181] {strides = array<i32>} : memref<10000xi32, #tpu.memory_space<vmem>>, vector<16xi32>,
      %bitcast3A_183 = vector.bitcast %get3A_182 : vector<16xi32> to vector<32xbf16>
      %unpack3A_184 = tpu.unpack_subelements %bitcast3A_183, 0 {pack_format = #tpu.pack_format<interleaved>} : vector<32xbf16> -> vector<16xf32>
      %unpack3A_185 = tpu.unpack_subelements %bitcast3A_183, 1 {pack_format = #tpu.pack_format<interleaved>} : vector<32xbf16> -> vector<16xf32>
      %eq3A_186 = arith.constant 0xFF800000 : f32
      %eq3A_187 = vector.broadcast %eq3A_186 : f32 to vector<16xf32>
      %eq3A_188 = arith.cmpf oeq, %unpack3A_184, %eq3A_187 : vector<16xf32>
      %select_n3A_189 = arith.select %eq3A_188, %broadcast_in_dim3A_150, %unpack3A_184 : vector<16xi1>, vector<16xf32>
      %swap3A_190 = arith.index_cast %mul3A_167 : i32 to index
      %swap3A_191 = tpu.vector_load %arg7[%swap3A_190] {strides = array<i32>} : memref<10000xf32, #tpu.memory_space<vmem>>, vector<16xf32>,
      tpu.vector_store %arg7[%swap3A_190], %select_n3A_189 {strides = array<i32>} : memref<10000xf32, #tpu.memory_space<vmem>>, vector<16xf32>,
      %eq3A_192 = arith.constant 0xFF800000 : f32
      %eq3A_193 = vector.broadcast %eq3A_192 : f32 to vector<16xf32>
      %eq3A_194 = arith.cmpf oeq, %unpack3A_185, %eq3A_193 : vector<16xf32>
      %select_n3A_195 = arith.select %eq3A_194, %broadcast_in_dim3A_150, %unpack3A_185 : vector<16xi1>, vector<16xf32>
      %swap3A_196 = arith.index_cast %mul3A_167 : i32 to index
      %swap3A_197 = tpu.vector_load %arg8[%swap3A_196] {strides = array<i32>} : memref<10000xf32, #tpu.memory_space<vmem>>, vector<16xf32>,
      tpu.vector_store %arg8[%swap3A_196], %select_n3A_195 {strides = array<i32>} : memref<10000xf32, #tpu.memory_space<vmem>>, vector<16xf32>,
    }
    %scan3A_156 = arith.constant 625 : i32
    %add3A_157 = arith.constant 0 : i32
    %add3A_158 = arith.addi %mul3A_2, %add3A_157 : i32
    "tpu.region"() ({
      %run_scoped3A = tpu.sem_alloc : memref<!tpu.dma_semaphore, #tpu.memory_space<semaphore_mem>>
      %dma_start3A_165 = arith.constant 0 : i32
      %dma_start3A_166 = tpu.memref_slice %arg4[%add3A_158, %dma_start3A_165] : memref<128x10000xf32, #tpu.memory_space<hbm>> -> memref<1x10000xf32, #tpu.memory_space<hbm>>
      %dma_start3A_167 = tpu.memref_squeeze %dma_start3A_166 : memref<1x10000xf32, #tpu.memory_space<hbm>> -> memref<10000xf32, #tpu.memory_space<hbm>>
      %dma_start3A_168 = arith.constant 0 : i32
      %dma_start3A_169 = tpu.memref_slice %arg4[%add3A_158, %dma_start3A_168] : memref<128x10000xf32, #tpu.memory_space<hbm>> -> memref<1x10000xf32, #tpu.memory_space<hbm>>
      %dma_start3A_170 = tpu.memref_squeeze %dma_start3A_169 : memref<1x10000xf32, #tpu.memory_space<hbm>> -> memref<10000xf32, #tpu.memory_space<hbm>>
      tpu.enqueue_dma source(%arg5 : memref<10000xf32, #tpu.memory_space<vmem>>) target(%dma_start3A_170 : memref<10000xf32, #tpu.memory_space<hbm>>) target_semaphore(%run_scoped3A : memref<!tpu.dma_semaphore, #tpu.memory_space<semaphore_mem>>)
      %dma_wait3A_171 = arith.constant 0 : i32
      %dma_wait3A_172 = tpu.memref_slice %arg4[%add3A_158, %dma_wait3A_171] : memref<128x10000xf32, #tpu.memory_space<hbm>> -> memref<1x10000xf32, #tpu.memory_space<hbm>>
      %dma_wait3A_173 = tpu.memref_squeeze %dma_wait3A_172 : memref<1x10000xf32, #tpu.memory_space<hbm>> -> memref<10000xf32, #tpu.memory_space<hbm>>
      %dma_wait3A_174 = arith.constant 0 : i32
      %dma_wait3A_175 = tpu.memref_slice %arg4[%add3A_158, %dma_wait3A_174] : memref<128x10000xf32, #tpu.memory_space<hbm>> -> memref<1x10000xf32, #tpu.memory_space<hbm>>
      %dma_wait3A_176 = tpu.memref_squeeze %dma_wait3A_175 : memref<1x10000xf32, #tpu.memory_space<hbm>> -> memref<10000xf32, #tpu.memory_space<hbm>>
      tpu.wait_dma2 semaphore(%run_scoped3A : memref<!tpu.dma_semaphore, #tpu.memory_space<semaphore_mem>>) src(%arg5 : memref<10000xf32, #tpu.memory_space<vmem>>) dst(%dma_wait3A_176 : memref<10000xf32, #tpu.memory_space<hbm>>)
      tpu.yield
    }) : () -> ()
    %add3A_159 = arith.constant 1 : i32
    %add3A_160 = arith.addi %mul3A_2, %add3A_159 : i32
    "tpu.region"() ({
      %run_scoped3A = tpu.sem_alloc : memref<!tpu.dma_semaphore, #tpu.memory_space<semaphore_mem>>
      %dma_start3A_165 = arith.constant 0 : i32
      %dma_start3A_166 = tpu.memref_slice %arg4[%add3A_160, %dma_start3A_165] : memref<128x10000xf32, #tpu.memory_space<hbm>> -> memref<1x10000xf32, #tpu.memory_space<hbm>>
      %dma_start3A_167 = tpu.memref_squeeze %dma_start3A_166 : memref<1x10000xf32, #tpu.memory_space<hbm>> -> memref<10000xf32, #tpu.memory_space<hbm>>
      %dma_start3A_168 = arith.constant 0 : i32
      %dma_start3A_169 = tpu.memref_slice %arg4[%add3A_160, %dma_start3A_168] : memref<128x10000xf32, #tpu.memory_space<hbm>> -> memref<1x10000xf32, #tpu.memory_space<hbm>>
      %dma_start3A_170 = tpu.memref_squeeze %dma_start3A_169 : memref<1x10000xf32, #tpu.memory_space<hbm>> -> memref<10000xf32, #tpu.memory_space<hbm>>
      tpu.enqueue_dma source(%arg6 : memref<10000xf32, #tpu.memory_space<vmem>>) target(%dma_start3A_170 : memref<10000xf32, #tpu.memory_space<hbm>>) target_semaphore(%run_scoped3A : memref<!tpu.dma_semaphore, #tpu.memory_space<semaphore_mem>>)
      %dma_wait3A_171 = arith.constant 0 : i32
      %dma_wait3A_172 = tpu.memref_slice %arg4[%add3A_160, %dma_wait3A_171] : memref<128x10000xf32, #tpu.memory_space<hbm>> -> memref<1x10000xf32, #tpu.memory_space<hbm>>
      %dma_wait3A_173 = tpu.memref_squeeze %dma_wait3A_172 : memref<1x10000xf32, #tpu.memory_space<hbm>> -> memref<10000xf32, #tpu.memory_space<hbm>>
      %dma_wait3A_174 = arith.constant 0 : i32
      %dma_wait3A_175 = tpu.memref_slice %arg4[%add3A_160, %dma_wait3A_174] : memref<128x10000xf32, #tpu.memory_space<hbm>> -> memref<1x10000xf32, #tpu.memory_space<hbm>>
      %dma_wait3A_176 = tpu.memref_squeeze %dma_wait3A_175 : memref<1x10000xf32, #tpu.memory_space<hbm>> -> memref<10000xf32, #tpu.memory_space<hbm>>
      tpu.wait_dma2 semaphore(%run_scoped3A : memref<!tpu.dma_semaphore, #tpu.memory_space<semaphore_mem>>) src(%arg6 : memref<10000xf32, #tpu.memory_space<vmem>>) dst(%dma_wait3A_176 : memref<10000xf32, #tpu.memory_space<hbm>>)
      tpu.yield
    }) : () -> ()
    %add3A_161 = arith.constant 2 : i32
    %add3A_162 = arith.addi %mul3A_2, %add3A_161 : i32
    "tpu.region"() ({
      %run_scoped3A = tpu.sem_alloc : memref<!tpu.dma_semaphore, #tpu.memory_space<semaphore_mem>>
      %dma_start3A_165 = arith.constant 0 : i32
      %dma_start3A_166 = tpu.memref_slice %arg4[%add3A_162, %dma_start3A_165] : memref<128x10000xf32, #tpu.memory_space<hbm>> -> memref<1x10000xf32, #tpu.memory_space<hbm>>
      %dma_start3A_167 = tpu.memref_squeeze %dma_start3A_166 : memref<1x10000xf32, #tpu.memory_space<hbm>> -> memref<10000xf32, #tpu.memory_space<hbm>>
      %dma_start3A_168 = arith.constant 0 : i32
      %dma_start3A_169 = tpu.memref_slice %arg4[%add3A_162, %dma_start3A_168] : memref<128x10000xf32, #tpu.memory_space<hbm>> -> memref<1x10000xf32, #tpu.memory_space<hbm>>
      %dma_start3A_170 = tpu.memref_squeeze %dma_start3A_169 : memref<1x10000xf32, #tpu.memory_space<hbm>> -> memref<10000xf32, #tpu.memory_space<hbm>>
      tpu.enqueue_dma source(%arg7 : memref<10000xf32, #tpu.memory_space<vmem>>) target(%dma_start3A_170 : memref<10000xf32, #tpu.memory_space<hbm>>) target_semaphore(%run_scoped3A : memref<!tpu.dma_semaphore, #tpu.memory_space<semaphore_mem>>)
      %dma_wait3A_171 = arith.constant 0 : i32
      %dma_wait3A_172 = tpu.memref_slice %arg4[%add3A_162, %dma_wait3A_171] : memref<128x10000xf32, #tpu.memory_space<hbm>> -> memref<1x10000xf32, #tpu.memory_space<hbm>>
      %dma_wait3A_173 = tpu.memref_squeeze %dma_wait3A_172 : memref<1x10000xf32, #tpu.memory_space<hbm>> -> memref<10000xf32, #tpu.memory_space<hbm>>
      %dma_wait3A_174 = arith.constant 0 : i32
      %dma_wait3A_175 = tpu.memref_slice %arg4[%add3A_162, %dma_wait3A_174] : memref<128x10000xf32, #tpu.memory_space<hbm>> -> memref<1x10000xf32, #tpu.memory_space<hbm>>
      %dma_wait3A_176 = tpu.memref_squeeze %dma_wait3A_175 : memref<1x10000xf32, #tpu.memory_space<hbm>> -> memref<10000xf32, #tpu.memory_space<hbm>>
      tpu.wait_dma2 semaphore(%run_scoped3A : memref<!tpu.dma_semaphore, #tpu.memory_space<semaphore_mem>>) src(%arg7 : memref<10000xf32, #tpu.memory_space<vmem>>) dst(%dma_wait3A_176 : memref<10000xf32, #tpu.memory_space<hbm>>)
      tpu.yield
    }) : () -> ()
    %add3A_163 = arith.constant 3 : i32
    %add3A_164 = arith.addi %mul3A_2, %add3A_163 : i32
    "tpu.region"() ({
      %run_scoped3A = tpu.sem_alloc : memref<!tpu.dma_semaphore, #tpu.memory_space<semaphore_mem>>
      %dma_start3A_165 = arith.constant 0 : i32
      %dma_start3A_166 = tpu.memref_slice %arg4[%add3A_164, %dma_start3A_165] : memref<128x10000xf32, #tpu.memory_space<hbm>> -> memref<1x10000xf32, #tpu.memory_space<hbm>>
      %dma_start3A_167 = tpu.memref_squeeze %dma_start3A_166 : memref<1x10000xf32, #tpu.memory_space<hbm>> -> memref<10000xf32, #tpu.memory_space<hbm>>
      %dma_start3A_168 = arith.constant 0 : i32
      %dma_start3A_169 = tpu.memref_slice %arg4[%add3A_164, %dma_start3A_168] : memref<128x10000xf32, #tpu.memory_space<hbm>> -> memref<1x10000xf32, #tpu.memory_space<hbm>>
      %dma_start3A_170 = tpu.memref_squeeze %dma_start3A_169 : memref<1x10000xf32, #tpu.memory_space<hbm>> -> memref<10000xf32, #tpu.memory_space<hbm>>
      tpu.enqueue_dma source(%arg8 : memref<10000xf32, #tpu.memory_space<vmem>>) target(%dma_start3A_170 : memref<10000xf32, #tpu.memory_space<hbm>>) target_semaphore(%run_scoped3A : memref<!tpu.dma_semaphore, #tpu.memory_space<semaphore_mem>>)
      %dma_wait3A_171 = arith.constant 0 : i32
      %dma_wait3A_172 = tpu.memref_slice %arg4[%add3A_164, %dma_wait3A_171] : memref<128x10000xf32, #tpu.memory_space<hbm>> -> memref<1x10000xf32, #tpu.memory_space<hbm>>
      %dma_wait3A_173 = tpu.memref_squeeze %dma_wait3A_172 : memref<1x10000xf32, #tpu.memory_space<hbm>> -> memref<10000xf32, #tpu.memory_space<hbm>>
      %dma_wait3A_174 = arith.constant 0 : i32
      %dma_wait3A_175 = tpu.memref_slice %arg4[%add3A_164, %dma_wait3A_174] : memref<128x10000xf32, #tpu.memory_space<hbm>> -> memref<1x10000xf32, #tpu.memory_space<hbm>>
      %dma_wait3A_176 = tpu.memref_squeeze %dma_wait3A_175 : memref<1x10000xf32, #tpu.memory_space<hbm>> -> memref<10000xf32, #tpu.memory_space<hbm>>
      tpu.wait_dma2 semaphore(%run_scoped3A : memref<!tpu.dma_semaphore, #tpu.memory_space<semaphore_mem>>) src(%arg8 : memref<10000xf32, #tpu.memory_space<vmem>>) dst(%dma_wait3A_176 : memref<10000xf32, #tpu.memory_space<hbm>>)
      tpu.yield
    }) : () -> ()
    return
  }
}

module attributes {stable_mosaic.version = 14 : i64} {
  func.func @body(%arg0: memref<10000x128xf32, #tpu.memory_space<vmem>>, %arg1: memref<128x128xf32, #tpu.memory_space<vmem>>, %arg2: memref<128x1xf32, #tpu.memory_space<vmem>>, %arg3: memref<128x10000xf32, #tpu.memory_space<vmem>>) attributes {dimension_semantics = [], scalar_prefetch = 0 : i64, scratch_operands = 0 : i64, tpu.core_type = #tpu.core_type<tc>} {
    %get3A = arith.constant 0 : index
    %get3A_0 = arith.constant 0 : index
    %get3A_1 = vector.load %arg0[%get3A, %get3A_0] : memref<10000x128xf32, #tpu.memory_space<vmem>>, vector<10000x128xf32>
    %get3A_2 = arith.constant 0 : index
    %get3A_3 = arith.constant 0 : index
    %get3A_4 = vector.load %arg1[%get3A_2, %get3A_3] : memref<128x128xf32, #tpu.memory_space<vmem>>, vector<128x128xf32>
    %dot_general3A = arith.constant dense<0.000000e+00> : vector<128x10000xf32>
    %dot_general3A_5 = tpu.matmul %get3A_4, %get3A_1, %dot_general3A {dimension_numbers = #tpu.dot_dimension_numbers<[1], [1], [0], [0], [0, 0, 1, 0], [], []>, transpose_lhs_hint = false} : vector<128x128xf32>, vector<10000x128xf32>, vector<128x10000xf32> -> vector<128x10000xf32>
    %get3A_6 = arith.constant 0 : index
    %get3A_7 = arith.constant 0 : index
    %get3A_8 = vector.load %arg2[%get3A_6, %get3A_7] : memref<128x1xf32, #tpu.memory_space<vmem>>, vector<128x1xf32>
    %add3A = vector.broadcast %get3A_8 : vector<128x1xf32> to vector<128x10000xf32>
    %add3A_9 = arith.addf %dot_general3A_5, %add3A : vector<128x10000xf32>
    %swap3A = arith.constant 0 : index
    %swap3A_10 = arith.constant 0 : index
    %swap3A_11 = vector.load %arg3[%swap3A, %swap3A_10] : memref<128x10000xf32, #tpu.memory_space<vmem>>, vector<128x10000xf32>
    tpu.vector_store %arg3[%swap3A, %swap3A_10], %add3A_9 {strides = array<i32>} : memref<128x10000xf32, #tpu.memory_space<vmem>>, vector<128x10000xf32>,
    return
  }
}

module attributes {stable_mosaic.version = 14 : i64} {
  func.func @body(%arg0: memref<128x10000xf32, #tpu.memory_space<vmem>>, %arg1: memref<128x10000xf32, #tpu.memory_space<vmem>>, %arg2: memref<128x128xf32, #tpu.memory_space<vmem>>, %arg3: memref<128x1xf32, #tpu.memory_space<vmem>>, %arg4: memref<128x10000xf32, #tpu.memory_space<vmem>>) attributes {dimension_semantics = [], scalar_prefetch = 0 : i64, scratch_operands = 0 : i64, tpu.core_type = #tpu.core_type<tc>} {
    %get3A = arith.constant 0 : index
    %get3A_0 = arith.constant 0 : index
    %get3A_1 = vector.load %arg0[%get3A, %get3A_0] : memref<128x10000xf32, #tpu.memory_space<vmem>>, vector<128x10000xf32>
    %get3A_2 = arith.constant 0 : index
    %get3A_3 = arith.constant 0 : index
    %get3A_4 = vector.load %arg1[%get3A_2, %get3A_3] : memref<128x10000xf32, #tpu.memory_space<vmem>>, vector<128x10000xf32>
    %add3A = arith.addf %get3A_1, %get3A_4 : vector<128x10000xf32>
    %get3A_5 = arith.constant 0 : index
    %get3A_6 = arith.constant 0 : index
    %get3A_7 = vector.load %arg2[%get3A_5, %get3A_6] : memref<128x128xf32, #tpu.memory_space<vmem>>, vector<128x128xf32>
    %dot_general3A = arith.constant dense<0.000000e+00> : vector<128x10000xf32>
    %dot_general3A_8 = tpu.matmul %get3A_7, %add3A, %dot_general3A {dimension_numbers = #tpu.dot_dimension_numbers<[1], [0], [0], [1], [0, 0, 1, 1], [], []>, transpose_lhs_hint = false} : vector<128x128xf32>, vector<128x10000xf32>, vector<128x10000xf32> -> vector<128x10000xf32>
    %get3A_9 = arith.constant 0 : index
    %get3A_10 = arith.constant 0 : index
    %get3A_11 = vector.load %arg3[%get3A_9, %get3A_10] : memref<128x1xf32, #tpu.memory_space<vmem>>, vector<128x1xf32>
    %add3A_12 = vector.broadcast %get3A_11 : vector<128x1xf32> to vector<128x10000xf32>
    %add3A_13 = arith.addf %dot_general3A_8, %add3A_12 : vector<128x10000xf32>
    %swap3A = arith.constant 0 : index
    %swap3A_14 = arith.constant 0 : index
    %swap3A_15 = vector.load %arg4[%swap3A, %swap3A_14] : memref<128x10000xf32, #tpu.memory_space<vmem>>, vector<128x10000xf32>
    tpu.vector_store %arg4[%swap3A, %swap3A_14], %add3A_13 {strides = array<i32>} : memref<128x10000xf32, #tpu.memory_space<vmem>>, vector<128x10000xf32>,
    return
  }
}

module attributes {stable_mosaic.version = 14 : i64} {
  func.func @body(%arg0: memref<128x10000xf32, #tpu.memory_space<vmem>>, %arg1: memref<10x128xf32, #tpu.memory_space<vmem>>, %arg2: memref<10x1xf32, #tpu.memory_space<vmem>>, %arg3: memref<10x128xf32, #tpu.memory_space<vmem>>, %arg4: memref<10x1xf32, #tpu.memory_space<vmem>>, %arg5: memref<10x10000xf32, #tpu.memory_space<vmem>>, %arg6: memref<10x10000xf32, #tpu.memory_space<vmem>>) attributes {dimension_semantics = [], scalar_prefetch = 0 : i64, scratch_operands = 0 : i64, tpu.core_type = #tpu.core_type<tc>} {
    %get3A = arith.constant 0 : index
    %get3A_0 = arith.constant 0 : index
    %get3A_1 = vector.load %arg0[%get3A, %get3A_0] : memref<128x10000xf32, #tpu.memory_space<vmem>>, vector<128x10000xf32>
    %get3A_2 = arith.constant 0 : index
    %get3A_3 = arith.constant 0 : index
    %get3A_4 = vector.load %arg1[%get3A_2, %get3A_3] : memref<10x128xf32, #tpu.memory_space<vmem>>, vector<10x128xf32>
    %dot_general3A = arith.constant dense<0.000000e+00> : vector<10x10000xf32>
    %dot_general3A_5 = tpu.matmul %get3A_4, %get3A_1, %dot_general3A {dimension_numbers = #tpu.dot_dimension_numbers<[1], [0], [0], [1], [0, 0, 1, 1], [], []>, transpose_lhs_hint = false} : vector<10x128xf32>, vector<128x10000xf32>, vector<10x10000xf32> -> vector<10x10000xf32>
    %get3A_6 = arith.constant 0 : index
    %get3A_7 = arith.constant 0 : index
    %get3A_8 = vector.load %arg2[%get3A_6, %get3A_7] : memref<10x1xf32, #tpu.memory_space<vmem>>, vector<10x1xf32>
    %add3A = vector.broadcast %get3A_8 : vector<10x1xf32> to vector<10x10000xf32>
    %add3A_9 = arith.addf %dot_general3A_5, %add3A : vector<10x10000xf32>
    %reduce_max3A = arith.constant dense<0xFF800000> : vector<10000xf32>
    %reduce_max3A_10 = vector.multi_reduction <maximumf>, %add3A_9, %reduce_max3A [0] : vector<10x10000xf32> to vector<10000xf32>
    %broadcast_in_dim3A = vector.shape_cast %reduce_max3A_10 : vector<10000xf32> to vector<1x10000xf32>
    %sub3A = vector.broadcast %broadcast_in_dim3A : vector<1x10000xf32> to vector<10x10000xf32>
    %sub3A_11 = arith.subf %add3A_9, %sub3A : vector<10x10000xf32>
    %exp3A = math.exp %sub3A_11 : vector<10x10000xf32>
    %reduce_sum3A = arith.constant dense<0.000000e+00> : vector<10000xf32>
    %reduce_sum3A_12 = vector.multi_reduction <add>, %exp3A, %reduce_sum3A [0] : vector<10x10000xf32> to vector<10000xf32>
    %broadcast_in_dim3A_13 = vector.shape_cast %reduce_sum3A_12 : vector<10000xf32> to vector<1x10000xf32>
    %sub3A_14 = vector.broadcast %broadcast_in_dim3A : vector<1x10000xf32> to vector<10x10000xf32>
    %sub3A_15 = arith.subf %add3A_9, %sub3A_14 : vector<10x10000xf32>
    %log3A = math.log %broadcast_in_dim3A_13 : vector<1x10000xf32>
    %sub3A_16 = vector.broadcast %log3A : vector<1x10000xf32> to vector<10x10000xf32>
    %sub3A_17 = arith.subf %sub3A_15, %sub3A_16 : vector<10x10000xf32>
    %swap3A = arith.constant 0 : index
    %swap3A_18 = arith.constant 0 : index
    %swap3A_19 = vector.load %arg5[%swap3A, %swap3A_18] : memref<10x10000xf32, #tpu.memory_space<vmem>>, vector<10x10000xf32>
    tpu.vector_store %arg5[%swap3A, %swap3A_18], %sub3A_17 {strides = array<i32>} : memref<10x10000xf32, #tpu.memory_space<vmem>>, vector<10x10000xf32>,
    %get3A_20 = arith.constant 0 : index
    %get3A_21 = arith.constant 0 : index
    %get3A_22 = vector.load %arg3[%get3A_20, %get3A_21] : memref<10x128xf32, #tpu.memory_space<vmem>>, vector<10x128xf32>
    %dot_general3A_23 = arith.constant dense<0.000000e+00> : vector<10x10000xf32>
    %dot_general3A_24 = tpu.matmul %get3A_22, %get3A_1, %dot_general3A_23 {dimension_numbers = #tpu.dot_dimension_numbers<[1], [0], [0], [1], [0, 0, 1, 1], [], []>, transpose_lhs_hint = false} : vector<10x128xf32>, vector<128x10000xf32>, vector<10x10000xf32> -> vector<10x10000xf32>
    %get3A_25 = arith.constant 0 : index
    %get3A_26 = arith.constant 0 : index
    %get3A_27 = vector.load %arg4[%get3A_25, %get3A_26] : memref<10x1xf32, #tpu.memory_space<vmem>>, vector<10x1xf32>
    %add3A_28 = vector.broadcast %get3A_27 : vector<10x1xf32> to vector<10x10000xf32>
    %add3A_29 = arith.addf %dot_general3A_24, %add3A_28 : vector<10x10000xf32>
    %reduce_max3A_30 = arith.constant dense<0xFF800000> : vector<10000xf32>
    %reduce_max3A_31 = vector.multi_reduction <maximumf>, %add3A_29, %reduce_max3A_30 [0] : vector<10x10000xf32> to vector<10000xf32>
    %broadcast_in_dim3A_32 = vector.shape_cast %reduce_max3A_31 : vector<10000xf32> to vector<1x10000xf32>
    %sub3A_33 = vector.broadcast %broadcast_in_dim3A_32 : vector<1x10000xf32> to vector<10x10000xf32>
    %sub3A_34 = arith.subf %add3A_29, %sub3A_33 : vector<10x10000xf32>
    %exp3A_35 = math.exp %sub3A_34 : vector<10x10000xf32>
    %reduce_sum3A_36 = arith.constant dense<0.000000e+00> : vector<10000xf32>
    %reduce_sum3A_37 = vector.multi_reduction <add>, %exp3A_35, %reduce_sum3A_36 [0] : vector<10x10000xf32> to vector<10000xf32>
    %broadcast_in_dim3A_38 = vector.shape_cast %reduce_sum3A_37 : vector<10000xf32> to vector<1x10000xf32>
    %sub3A_39 = vector.broadcast %broadcast_in_dim3A_32 : vector<1x10000xf32> to vector<10x10000xf32>
    %sub3A_40 = arith.subf %add3A_29, %sub3A_39 : vector<10x10000xf32>
    %log3A_41 = math.log %broadcast_in_dim3A_38 : vector<1x10000xf32>
    %sub3A_42 = vector.broadcast %log3A_41 : vector<1x10000xf32> to vector<10x10000xf32>
    %sub3A_43 = arith.subf %sub3A_40, %sub3A_42 : vector<10x10000xf32>
    %swap3A_44 = arith.constant 0 : index
    %swap3A_45 = arith.constant 0 : index
    %swap3A_46 = vector.load %arg6[%swap3A_44, %swap3A_45] : memref<10x10000xf32, #tpu.memory_space<vmem>>, vector<10x10000xf32>
    tpu.vector_store %arg6[%swap3A_44, %swap3A_45], %sub3A_43 {strides = array<i32>} : memref<10x10000xf32, #tpu.memory_space<vmem>>, vector<10x10000xf32>,
    return
  }
}

</mosaic_0001>

<sc_bundles>
// kernel: body.10.cloned.1.call-start
scs
__scs_entry_jumppad:
0x0: {  	(pc) =	sbr.rel $0x88, $3  }
0x1: {  	(tag) =	ssettag $0x0;
	lr =	simm.s32 $0x1  }
0x2: {  	[smem:$0x3F98] =	sst lr;
	_ =	strace $0xD0000000  }
0x3: {  	_ = 	snop  }
0x4: {  	_ = 	snop  }
0x5: {  	_ = 	snop  }
0x6: {  	_ = 	snop  }
0x7: {  	_ = 	snop  }
__scs_overlays_trampoline_lowered:
0x8: {  	[smem:$0x3FA7] =	sst s0  }
0x9: {  	[smem:$0x3FA8] =	sst s1  }
0xa: {  	[smem:$0x3FA9] =	sst s2  }
0xb: {  	[smem:$0x3FAA] =	sst s3  }
0xc: {  	[smem:$0x3FAB] =	sst s4  }
0xd: {  	[smem:$0x3FAC] =	sst s5  }
0xe: {  	[smem:$0x3FAD] =	sst s6  }
0xf: {  	[smem:$0x3FAE] =	sst s7  }
0x10: {  	[smem:$0x3FAF] =	sst s8  }
0x11: {  	[smem:$0x3FB0] =	sst s9;
	s0 =	simm.s32 @!p0 $0x0  }
0x12: {  	s1 =	sld [smem:$0x3F96];
	s0 =	simm.s32 @p0 $0x1  }
0x13: {  	[smem:$0x3FB1] =	sst s0;
	s0 =	simm.s32 @!p1 $0x0  }
0x14: {  	s2 =	sld [smem:$0x3F95];
	s0 =	simm.s32 @p1 $0x1  }
0x15: {  	[smem:$0x3FB2] =	sst s0;
	s0 =	simm.s32 @!p2 $0x0  }
0x16: {  	s3 =	sld [smem:$0x3FDB];
	s0 =	simm.s32 @p2 $0x1  }
0x17: {  	s4 =	simm.s32 $0x1BF5;
	[smem:$0x3FB4] =	sst s0  }
0x18: {  	s0 =	sld [smem:$0x3F97];
	_ =	swait.ge [sflag:s4], $0x0  }
0x19: {  	s7 =	sld [smem:$0x3F98]  }
0x1a: {  	s8 =	sadd.s32 $0xFFFFE003, lr  }
0x1b: {  	s9 =	sadd.s32 $0xFFFFFEF7, lr;
	s5 =	simm.s32 $0xFFFFFFFF;
	p2 =	slt.u32 s8, $0xFFFFF086  }
0x1c: {  	p1 =	slt.u32 s9, $0xF7A;
	s5 =	simm.s32 @!p2 $0x0  }
0x1d: {  	s5 =	simm.s32 @p1 $0x1;
	p0 =	seq.s32 s7, s2  }
0x1e: {  	s7 =	smul.u32 @!p0 $0xF7A, s2;
	p2 =	seq.s32 @!p0 s5, $0x0  }
0x1f: {  	s9 =	smul.u32 $0xF7A, s1;
	s8 =	simm.s32 @!p0 $0x1BF5;
	p2 =	por !p2, p0  }
0x20: {  	[sflag:s8] =	ssyncset.s32 @!p0 $0xFFFFF086;
	s6 =	sadd.s32 @!p0 s3, s7;
	s7 =	simm.s32 @!p0 $0x108  }
0x21: {  	s3 =	sadd.s32 s3, s9;
	s6 =	sadd.s32 @!p0 $0x88, s6;
	s7 =	simm.s32 @p2 $0x1082  }
0x22: {  	[simem:s7], [sflag:s8] =	dma.local @!p0 [hbm:s6], $0xF7A  }
0x23: {  	s9 =	sor.u32 $0xD0000000, s2;
	s6 =	simm.s32 $0x108;
	_ =	swait.ge @!p0 [sflag:s8], $0x0  }
0x24: {  	s3 =	sadd.s32 $0x88, s3;
	s6 =	simm.s32 @!p1 $0x1082;
	[sflag:s4] =	ssyncset.s32 $0xFFFFF086  }
0x25: {  	[simem:s6], [sflag:s4] =	dma.local [hbm:s3], $0xF7A  }
0x26: {  	[smem:$0x3F98] =	sst s1;
	(tag) =	ssettag s2;
	_ =	strace s9  }
0x27: {  	s1 =	sld [smem:$0x3FA8]  }
0x28: {  	s2 =	sld [smem:$0x3FA9]  }
0x29: {  	s4 =	sld [smem:$0x3FAB]  }
0x2a: {  	p0 =	seq.s32 s5, $0x0;
	s5 =	sld [smem:$0x3FAC]  }
0x2b: {  	s6 =	sld [smem:$0x3FAD]  }
0x2c: {  	s7 =	sld [smem:$0x3FAE]  }
0x2d: {  	s3 =	simm.s32 $0x108;
	s8 =	sld [smem:$0x3FAF]  }
0x2e: {  	s3 =	simm.s32 @!p0 $0x1082;
	s9 =	sld [smem:$0x3FB0]  }
0x2f: {  	lr =	sadd.s32 s0, s3;
	s0 =	sld [smem:$0x3FA7]  }
0x30: {  	s3 =	sld [smem:$0x3FAA]  }
0x31: {  	[smem:$0x3FB3] =	sst s10  }
0x32: {  	s10 =	sld [smem:$0x3FB1];
	_ =	sdelay $0x3  }
0x33: {  	p0 =	seq.s32 s10, $0x1;
	s10 =	sld [smem:$0x3FB3];
	_ =	sdelay $0x3  }
0x34: {  	[smem:$0x3FB3] =	sst s10  }
0x35: {  	s10 =	sld [smem:$0x3FB2];
	_ =	sdelay $0x3  }
0x36: {  	p1 =	seq.s32 s10, $0x1;
	s10 =	sld [smem:$0x3FB3];
	_ =	sdelay $0x3  }
0x37: {  	[smem:$0x3FB3] =	sst s10  }
0x38: {  	s10 =	sld [smem:$0x3FB4]  }
0x39: {  	_ = 	snop;
	(pc) =	sbr.ind lr, $3  }
0x3a: {  	_ = 	snop  }
0x3b: {  	_ = 	snop  }
0x3c: {  	p2 =	seq.s32 s10, $0x1;
	s10 =	sld [smem:$0x3FB3]  }
0x3d: {  	_ =	shalt  }
0x3e: {  	_ =	shalt  }
0x3f: {  	_ =	shalt  }
0x40: {  	_ =	shalt  }
0x41: {  	_ =	shalt  }
0x42: {  	_ =	shalt  }
0x43: {  	_ =	shalt  }
0x44: {  	_ =	shalt  }
0x45: {  	_ =	shalt  }
0x46: {  	_ =	shalt  }
0x47: {  	_ =	shalt  }
0x48: {  	_ =	shalt  }
0x49: {  	_ =	shalt  }
0x4a: {  	_ =	shalt  }
0x4b: {  	_ =	shalt  }
0x4c: {  	_ =	shalt  }
0x4d: {  	_ =	shalt  }
0x4e: {  	_ =	shalt  }
0x4f: {  	_ =	shalt  }
0x50: {  	_ =	shalt  }
0x51: {  	_ =	shalt  }
0x52: {  	_ =	shalt  }
0x53: {  	_ =	shalt  }
0x54: {  	_ =	shalt  }
0x55: {  	_ =	shalt  }
0x56: {  	_ =	shalt  }
0x57: {  	_ =	shalt  }
0x58: {  	_ =	shalt  }
0x59: {  	_ =	shalt  }
0x5a: {  	_ =	shalt  }
0x5b: {  	_ =	shalt  }
0x5c: {  	_ =	shalt  }
0x5d: {  	_ =	shalt  }
0x5e: {  	_ =	shalt  }
0x5f: {  	_ =	shalt  }
0x60: {  	_ =	shalt  }
0x61: {  	_ =	shalt  }
0x62: {  	_ =	shalt  }
0x63: {  	_ =	shalt  }
0x64: {  	_ =	shalt  }
0x65: {  	_ =	shalt  }
0x66: {  	_ =	shalt  }
0x67: {  	_ =	shalt  }
0x68: {  	_ =	shalt  }
0x69: {  	_ =	shalt  }
0x6a: {  	_ =	shalt  }
0x6b: {  	_ =	shalt  }
0x6c: {  	_ =	shalt  }
0x6d: {  	_ =	shalt  }
0x6e: {  	_ =	shalt  }
0x6f: {  	_ =	shalt  }
0x70: {  	_ =	shalt  }
0x71: {  	_ =	shalt  }
0x72: {  	_ =	shalt  }
0x73: {  	_ =	shalt  }
0x74: {  	_ =	shalt  }
0x75: {  	_ =	shalt  }
0x76: {  	_ =	shalt  }
0x77: {  	_ =	shalt  }
0x78: {  	_ =	shalt  }
0x79: {  	_ =	shalt  }
0x7a: {  	_ =	shalt  }
0x7b: {  	_ =	shalt  }
0x7c: {  	_ =	shalt  }
0x7d: {  	_ =	shalt  }
0x7e: {  	_ =	shalt  }
0x7f: {  	_ =	shalt  }
0x80: {  	_ =	shalt  }
0x81: {  	_ =	shalt  }
0x82: {  	_ =	shalt  }
0x83: {  	_ =	shalt  }
0x84: {  	_ =	shalt  }
0x85: {  	_ =	shalt  }
0x86: {  	_ =	shalt  }
0x87: {  	_ =	shalt  }
.Lfunc_end0:
.L_simem_size_0:
called_computation_lowered:
.L_overlay_start_0:
0x88: {  	s2 =	sld [smem:$0x3FD9]  }
0x89: {  	s3 =	sld [smem:$0x3FFE];
	_ =	sdelay $0x1  }
0x8a: {  	s1 =	srdreg.scid  }
0x8b: {  	s0 =	sand.u32 $0x1, s1  }
0x8c: {  	s16 =	sshll.u32 s0, $0xA;
	s2 =	sadd.s32 s3, s2  }
0x8d: {  	s2 =	sadd.s32 s2, s16  }
0x8e: {  	[smem:$0x3FBF] =	sst s2  }
0x8f: {  	_ = 	snop  }
0x90: {  	(tm) =	ssettm $0x1  }
0x91: {  	s17 =	sld [smem:$0x3FFB];
	_ =	sdelay $0x3  }
0x92: {  	_ =	strace s17  }
0x93: {  	s2 =	sld [smem:$0x3FFC];
	_ =	sdelay $0x3  }
0x94: {  	_ =	strace s2  }
0x95: {  	s2 =	sld [smem:$0x3FFD];
	_ =	sdelay $0x3  }
0x96: {  	_ =	strace s2  }
0x97: {  	_ =	strace $0x8FFFFFFF  }
0x98: {  	s18 =	sld [smem:$0x3FDB];
	_ =	sdelay $0x1  }
0x99: {  	s19 =	simm.s32 $_scs_section_size  }
0x9a: {  	s4 =	simm.s32 $_size__tile_overlayer_lowered;
	s5 =	simm.s32 $_tile_overlayer_lowered  }
0x9b: {  	s22 =	simm.s32 $0x1BFF;
	s21 =	sshll.u32 s5, $0x1;
	s2 =	sadd.s32 s19, s18  }
0x9c: {  	s6 =	simm.s32 $0x0;
	s20 =	sshll.u32 s4, $0x1;
	s4 =	sadd.s32 s21, s2  }
0x9d: {  	[timem:s6], [sflag:s22] =	dma.local [hbm:s4], s20  }
0x9e: {  	_ =	swait.ge [sflag:s22], s20  }
0x9f: {  	s3 =	ssub.s32 $0x0, s20;
	[sflag:s22] =	ssyncset.done $0x0  }
0xa0: {  	[sflag:s22] =	ssyncadd.s32 s3;
	_ =	sdelay $0x1  }
0xa1: {  	s23 =	simm.s32 $0x1B8B  }
0xa2: {  	_ =	swait.ge [sflag:s23], $0x1  }
0xa3: {  	[sflag:s23] =	ssyncset.done $0x0  }
0xa4: {  	s25 =	simm.s32 $0x1B8E;
	s24 =	sld [smem:$0x3FFE];
	[sflag:s23] =	ssyncadd.s32 $0xFFFFFFFF  }
0xa5: {  	s26 =	simm.s32 $execute0_lowered;
	[smem:$0x3FD2] =	sst s25  }
0xa6: {  	s4 =	sshll.u32 s26, $0x1;
	_ =	strace $0x80000046;
	[dreg:$0x1] =	wrdreg $0xFFFFFFFF  }
0xa7: {  	s28 =	simm.s32 $_size_execute0_lowered;
	s2 =	sadd.s32 s2, s4;
	[dreg:$0x0] =	wrdreg $0x0  }
0xa8: {  	s4 =	sshll.u32 s28, $0x1;
	[dreg:$0x2] =	wrdreg s2  }
0xa9: {  	[dreg:$0x3] =	wrdreg s4  }
0xaa: {  	[dreg:$0x4] =	wrdreg $0xC0  }
0xab: {  	_ =	task [dreg:s6], $0x5FFFF  }
0xac: {  	[dreg:$0x1] =	wrdreg $0xFFFFFFFF  }
0xad: {  	[dreg:$0x0] =	wrdreg $0x60  }
0xae: {  	[dreg:$0x2] =	wrdreg s24  }
0xaf: {  	[dreg:$0x3] =	wrdreg $0x9  }
0xb0: {  	_ =	task.clear_ibuf [dreg:s6], $0x4FFFF;
	_ =	strace $0x90000046  }
0xb1: {  	s29 =	simm.s32 $0x9;
	_ =	strace $0x80000048  }
0xb2: {  	_ =	swait.ge [sflag:s29], $0x1  }
0xb3: {  	[sflag:s29] =	ssyncadd.s32 $0xFFFFFFFF  }
0xb4: {  	_ =	strace $0x90000048  }
0xb5: {  	_ =	sfence  }
0xb6: {  	s30 =	sld [smem:$0x0];
	_ =	sdelay $0x2  }
0xb7: {  	s31 =	sshll.u32 s1, $0xD;
	s1 =	sshrl.u32 s1, $0x2  }
0xb8: {  	s3 =	sand.u32 $0x4000, s31;
	s1 =	sadd.s32 s1, s30  }
0xb9: {  	s0 =	sor.u32 s3, s0;
	s1 =	sshll.u32 s1, $0x11  }
0xba: {  	s0 =	sor.u32 s1, s0  }
0xbb: {  	s0 =	sadd.s32 $0x8F2B, s0  }
0xbc: {  	[sflag:s0] =	ssyncadd.remote.s32 $0x1  }
0xbd: {  	_ =	sfence.sel $0xFFFF  }
0xbe: {  	[dreg:$0x0] =	wrdreg $0xFFFFFFFF;
	(pc) =	sbr.abs _section_cstart, $3  }
0xbf: {  	[dreg:$0x1] =	wrdreg $0xFFFFFFFF  }
0xc0: {  	_ =	task.clear_ibuf [dreg:s6], $0x2FFFF;
	_ =	strace $0x9FFFFFFF  }
0xc1: {  	(tm) =	ssettm $0x7FFFFFFF  }
tec
execute0_lowered:
.L_overlay_start_1:
0x0: {  	(tag) =	ssettag $0x1  }
0x1: {  	s0 =	rddreg [dreg:$0x0];
	s1 =	srdreg.scid  }
0x2: {  	s2 =	simm.s32 $0x0;
	s3 =	stileid.u32;
	s16 =	simm.s32 $0x7530  }
0x3: {  	s19 =	simm.s32 $0x1;
	s22 =	simm.s32 $0x15180;
	s23 =	simm.s32 $0x15E00  }
0x4: {  	s28 =	simm.s32 $0x1B8A0;
	s29 =	simm.s32 $0x19190;
	s30 =	simm.s32 $0xEA60  }
0x5: {  	s31 =	simm.s32 $0x11170;
	s20 =	simm.s32 $0x0;
	s1 =	sand.u32 $0x1, s1  }
0x6: {  	[smem:$0x7FF] =	sst s2;
	s3 =	sshll.u32 s3, $0x3;
	s5 =	sadd.s32 $0x15A00, s0  }
0x7: {  	s14 =	sadd.s32 $0x3CC00, s0;
	s8 =	sadd.s32 $0xBC40, s0;
	s4 =	sshll.u32 s1, $0x2  }
0x8: {  	s9 =	sadd.s32 $0x2190, s0;
	s1 =	ssub.s32 $0x2, s1;
	s4 =	sor.u32 s4, s3  }
0x9: {  	s10 =	sadd.s32 $0xBDD0, s0;
	s7 =	sshrl.u32 s1, $0x1;
	s6 =	smul.u32 $0x2710, s4  }
0xa: {  	_ =	strace $0x80000047;
	s4 =	smul.u32 $0x4E2, s4;
	s1 =	ssub.s32 s1, s7  }
0xb: {  	s3 =	sadd.s32 $0x2000, s0;
	s0 =	simm.s32 $0x2;
	s15 =	smax.u32 s1, $0x1  }
0xc: {  	s1 =	simm.s32 $0x3;
	s6 =	sshrl.u32 s6, $0x3;
	s24 =	sadd.s32 s5, s4  }
0xd: {  	s11 =	sadd.s32 s14, s4;
	[dreg:$0x2] =	wrdreg s24;
	s12 =	sadd.s32 $0x4E2, s6  }
0xe: {  	s13 =	sadd.s32 $0x9C4, s6;
	s6 =	sadd.s32 $0xEA6, s6;
	s24 =	simm.s32 $0x9C40  }
0xf: {  	s25 =	sadd.s32 s5, s12;
	s26 =	sadd.s32 s5, s13;
	s7 =	sadd.s32 s5, s6  }
0x10: {  	s12 =	sadd.s32 s14, s12;
	s13 =	sadd.s32 s14, s13;
	s14 =	sadd.s32 s14, s6  }
0x11: {  	v1 =	vimm.f32 $-Inf;
	v0 =	vimm.s32 $0x0;
	v2 =	vlaneseq.u32;
	s5 =	simm.s32 $0x2710;
	s6 =	simm.s32 $0x4E20;
	[dreg:$0x3] =	wrdreg s25  }
0x12: {  	v3 =	vimm.s32 $0x1;
	v4 =	vimm.f32 $1.000000000e+00;
	v1 =	vpack.i.f32.bf16 v1, v1;
	[dreg:$0x4] =	wrdreg s26;
	s25 =	simm.s32 $0xC350;
	s26 =	simm.s32 $0x16A80  }
.LBB2_1:
0x13: {  	s4 =	rddreg [dreg:$0x2]  }
0x14: {  	[tilespmem:s2], [sflag:$0x1] =	stream.linear.gather [hbm4b:s4+s2], $0x2710, $0x38;
	[tilespmem:$0x1B980] =	vst v63  }
0x15: {  	s18 =	rddreg [dreg:$0x3]  }
0x16: {  	[tilespmem:s5], [sflag:$0x1] =	stream.linear.gather [hbm4b:s18+s2], $0x2710, $0x38;
	[tilespmem:$0x1B980] =	vst v63  }
0x17: {  	s21 =	rddreg [dreg:$0x4]  }
0x18: {  	[tilespmem:s6], [sflag:$0x1] =	stream.linear.gather [hbm4b:s21+s2], $0x2710, $0x38;
	[tilespmem:$0x1B980] =	vst v63  }
0x19: {  	_ = 	snop  }
0x1a: {  	[tilespmem:s16], [sflag:$0x1] =	stream.linear.gather [hbm4b:s7+s2], $0x2710, $0x38;
	[tilespmem:$0x1B980] =	vst v63  }
0x1b: {  	[tilespmem:$0x1B8A0] =	vst v0  }
0x1c: {  	[tilespmem:$0x1B8B0] =	vst v0  }
0x1d: {  	[tilespmem:$0x1B8C0] =	vst v0  }
0x1e: {  	[tilespmem:$0x1B8D0] =	vst v0  }
0x1f: {  	[tilespmem:$0x1B8E0] =	vst v0  }
0x20: {  	[tilespmem:$0x1B8F0] =	vst v0  }
0x21: {  	[tilespmem:$0x1B900] =	vst v0  }
0x22: {  	[tilespmem:$0x1B910] =	vst v0  }
0x23: {  	[tilespmem:$0x1B920] =	vst v0  }
0x24: {  	[tilespmem:$0x1B930] =	vst v0  }
0x25: {  	[tilespmem:$0x1B940] =	vst v0  }
0x26: {  	[tilespmem:$0x1B950] =	vst v0  }
0x27: {  	[tilespmem:$0x1B960] =	vst v0  }
0x28: {  	[tilespmem:$0x1B970] =	vst v0  }
0x29: {  	_ =	swait.ge [sflag:s19], $0x2710  }
0x2a: {  	[sflag:s19] =	ssyncset.done $0x0  }
0x2b: {  	[sflag:s19] =	ssyncadd.s32 $0xFFFFD8F0  }
0x2c: {  	_ =	swait.ge [sflag:s19], $0x2710  }
0x2d: {  	[sflag:s19] =	ssyncset.done $0x0  }
0x2e: {  	[sflag:s19] =	ssyncadd.s32 $0xFFFFD8F0  }
0x2f: {  	_ =	swait.ge [sflag:s19], $0x2710  }
0x30: {  	[sflag:s19] =	ssyncset.done $0x0  }
0x31: {  	[sflag:s19] =	ssyncadd.s32 $0xFFFFD8F0  }
0x32: {  	_ =	swait.ge [sflag:s19], $0x2710  }
0x33: {  	[sflag:s19] =	ssyncset.done $0x0  }
0x34: {  	s4 =	simm.s32 $0x0;
	[sflag:s19] =	ssyncadd.s32 $0xFFFFD8F0  }
0x35: {  	v5 =	vld [tilespmem:s4+$0x4E20]  }
0x36: {  	v7 =	vld [tilespmem:s4+$0x7530]  }
0x37: {  	[tilespmem:s4+$0xEA60] =	vst v1;
	v6 =	vld [tilespmem:s4+$0x0]  }
0x38: {  	s5 =	simm.s32 $0x40;
	[tilespmem:s4+$0x11170] =	vst v1;
	v8 =	vld [tilespmem:s4+$0x2710]  }
.LBB2_2:
0x39: {  	p0 =	sne.s32 s5, $0x9C00  }
.Ltmp0:
0x3a: {  	s6 =	sshra.s32 s5, $0x2;
	(pc) =	sbr.rel @p0 .LBB2_2-.Ltmp0, $4  }
0x3b: {  	s5 =	sadd.s32 $0x40, s5;
	[tilespmem:s6+$0xEA60] =	vst v1;
	v9 =	vpack.i.f32.bf16 v7, v5;
	v5 =	vld [tilespmem:s6+$0x4E20]  }
0x3c: {  	v7 =	vld [tilespmem:s6+$0x7530];
	[tilespmem:s4+$0xC350] =	vst v9  }
0x3d: {  	[tilespmem:s6+$0x11170] =	vst v1;
	v9 =	vpack.i.f32.bf16 v8, v6;
	v6 =	vld [tilespmem:s6+$0x0]  }
0x3e: {  	v8 =	vld [tilespmem:s6+$0x2710];
	[tilespmem:s4+$0x9C40] =	vst v9;
	s4 =	smov.u32 s6  }
0x3f: {  	_ =	sdelay $0x2  }
0x40: {  	v5 =	vpack.i.f32.bf16 v7, v5  }
0x41: {  	[tilespmem:s4+$0xC350] =	vst v5;
	v5 =	vpack.i.f32.bf16 v8, v6  }
0x42: {  	s21 =	simm.s32 $0x0;
	s17 =	simm.s32 $0x13880;
	[tilespmem:s4+$0x9C40] =	vst v5  }
0x43: {  	[tilespmem:s17], [sflag:$0x1] =	stream.linear.gather [hbm4b:s3+s21], $0xC80, $0x38;
	[tilespmem:$0x1B980] =	vst v63  }
0x44: {  	s18 =	simm.s32 $0x14500  }
0x45: {  	[tilespmem:s18], [sflag:$0x1] =	stream.linear.gather [hbm4b:s8+s21], $0xC80, $0x38;
	[tilespmem:$0x1B980] =	vst v63  }
0x46: {  	_ = 	snop  }
0x47: {  	[tilespmem:s22], [sflag:$0x2] =	stream.linear.gather [hbm4b:s9+s21], $0xC80, $0x38;
	[tilespmem:$0x1B980] =	vst v63  }
0x48: {  	_ = 	snop  }
0x49: {  	[tilespmem:s23], [sflag:$0x2] =	stream.linear.gather [hbm4b:s10+s21], $0xC80, $0x38;
	[tilespmem:$0x1B980] =	vst v63  }
.LBB2_4:
0x4a: {  	s4 =	simm.s32 $0x1  }
0x4b: {  	_ =	swait.ge [sflag:s4], $0xC80  }
0x4c: {  	[sflag:s4] =	ssyncset.done $0x0  }
0x4d: {  	[sflag:s4] =	ssyncadd.s32 $0xFFFFF380  }
0x4e: {  	_ =	swait.ge [sflag:s4], $0xC80  }
0x4f: {  	[sflag:s4] =	ssyncset.done $0x0  }
0x50: {  	[sflag:s4] =	ssyncadd.s32 $0xFFFFF380  }
0x51: {  	v5 =	vld [tilespmem:$0x13880]  }
0x52: {  	v14 =	vld [tilespmem:$0x14500];
	_ =	sdelay $0x6  }
0x53: {  	v13 =	vld.idx.msk [tilespmem:v5+s24+$0x0], $0xffff  }
0x54: {  	v15 =	vld.idx.msk [tilespmem:v5+s25+$0x0], $0xffff;
	[tilespmem:v14+s26+$0x0] =	vst.idx.msk $0xffff, v2  }
0x55: {  	v10 =	vld.idx.msk [tilespmem:v14+s26+$0x0], $0xffff;
	_ =	sdelay $0x4  }
0x56: {  	vm0 =	vne.s32 v10, v2  }
0x57: {  	v5 =	vmpcnt.ones.xlane vm0;
	_ =	sdelay $0x1  }
0x58: {  	[tilespmem:v0+s28+$0x0] =	vst.idx.msk $0x1, v5  }
0x59: {  	v7 =	vld [tilespmem:$0x13890]  }
0x5a: {  	v5 =	vld [tilespmem:$0x14510];
	_ =	sdelay $0x6  }
0x5b: {  	v6 =	vld.idx.msk [tilespmem:v7+s24+$0x0], $0xffff  }
0x5c: {  	v7 =	vld.idx.msk [tilespmem:v7+s25+$0x0], $0xffff;
	[tilespmem:v5+s29+$0x0] =	vst.idx.msk $0xffff, v2  }
0x5d: {  	v16 =	vld.idx.msk [tilespmem:v5+s29+$0x0], $0xffff;
	_ =	sdelay $0x4  }
0x5e: {  	vm0 =	vne.s32 v16, v2  }
0x5f: {  	v8 =	vmpcnt.ones.xlane vm0  }
0x60: {  	s4 =	smin.u32 s4, $0x63  }
0x61: {  	s5 =	sshllo.u32 s4, $0x1;
	s6 =	sshll.u32 s4, $0x5;
	[tilespmem:v3+s28+$0x0] =	vst.idx.msk $0x1, v8  }
0x62: {  	s16 =	sshll.u32 s5, $0x4;
	v9 =	vld [tilespmem:s6+$0x14500]  }
0x63: {  	v8 =	vld [tilespmem:s16+$0x14500];
	_ =	sdelay $0x4  }
0x64: {  	v12 =	vld [tilespmem:s6+$0x13880];
	_ =	sdelay $0x1  }
0x65: {  	v17 =	vld [tilespmem:s16+$0x13880];
	[tilespmem:v9+s26+$0x0] =	vst.idx.msk $0xffff, v2  }
0x66: {  	[tilespmem:v8+s29+$0x0] =	vst.idx.msk $0xffff, v2  }
0x67: {  	v18 =	vld.idx.msk [tilespmem:v14+s31+$0x0], $0xffff  }
0x68: {  	vm0 =	veq.s32 v10, v2;
	v19 =	vld.idx.msk [tilespmem:v9+s26+$0x0], $0xffff  }
0x69: {  	s4 =	sshll.u32 s4, $0x1;
	vm0 =	vmmov vm0;
	v20 =	vld.idx.msk [tilespmem:v14+s30+$0x0], $0xffff  }
0x6a: {  	v10 =	vmov s4;
	v21 =	vld.idx.msk [tilespmem:v8+s29+$0x0], $0xffff  }
0x6b: {  	v22 =	vbroadcast v10, $0x0;
	v11 =	vld.idx.msk [tilespmem:v12+s25+$0x0], $0xffff  }
0x6c: {  	v12 =	vld.idx.msk [tilespmem:v12+s24+$0x0], $0xffff  }
0x6d: {  	v23 =	vmov s5;
	v10 =	vld.idx.msk [tilespmem:v17+s25+$0x0], $0xffff  }
0x6e: {  	v20 =	vmax.bf16 v20, v13;
	v13 =	vld.idx.msk [tilespmem:v17+s24+$0x0], $0xffff;
	vm1 =	vne.s32 v19, v2  }
0x6f: {  	v15 =	vmax.bf16 v18, v15;
	vm2 =	vne.s32 v21, v2;
	[tilespmem:v14+s30+$0x0] =	vst.idx.msk vm0, v20;
	v17 =	vmpcnt.ones.xlane vm1  }
0x70: {  	[tilespmem:v14+s31+$0x0] =	vst.idx.msk vm0, v15;
	v14 =	vmpcnt.ones.xlane vm2  }
0x71: {  	[tilespmem:v22+s28+$0x0] =	vst.idx.msk $0x1, v17  }
0x72: {  	vm0 =	veq.s32 v16, v2;
	[tilespmem:v23+s28+$0x0] =	vst.idx.msk $0x1, v14  }
0x73: {  	vm0 =	vmmov vm0;
	v14 =	vld.idx.msk [tilespmem:v5+s30+$0x0], $0xffff  }
0x74: {  	s4 =	simm.s32 $0x2;
	vm3 =	veq.s32 v19, v2;
	vm2 =	veq.s32 v21, v2;
	v15 =	vld.idx.msk [tilespmem:v5+s31+$0x0], $0xffff  }
.LBB2_5:
0x75: {  	_ =	sdelay $0x1  }
0x76: {  	p0 =	sne.s32 s4, $0x64;
	v16 =	vmovc v9;
	v17 =	vmov v11;
	v18 =	vmov v12;
	vm1 =	vmmov vm3;
	s5 =	smov.u32 s4;
	s4 =	sadd.s32 $0x1, s4  }
0x77: {  	v9 =	vmax.bf16 v14, v6;
	v6 =	vmov v13  }
0x78: {  	s5 =	smin.u32 s5, $0x63;
	v11 =	vmax.bf16 v15, v7;
	[tilespmem:v5+s30+$0x0] =	vst.idx.msk vm0, v9;
	v7 =	vmov v10  }
0x79: {  	s6 =	sshll.u32 s5, $0x1;
	s16 =	sshllo.u32 s5, $0x1;
	s5 =	sshll.u32 s5, $0x5;
	[tilespmem:v5+s31+$0x0] =	vst.idx.msk vm0, v11;
	v5 =	vmov v8;
	vm0 =	vmmov vm2  }
0x7a: {  	s17 =	sshll.u32 s16, $0x4;
	v10 =	vmov s6;
	v9 =	vld [tilespmem:s5+$0x14500]  }
0x7b: {  	v8 =	vld [tilespmem:s17+$0x14500];
	_ =	sdelay $0x4  }
0x7c: {  	v12 =	vld [tilespmem:s5+$0x13880]  }
0x7d: {  	v13 =	vld [tilespmem:s17+$0x13880]  }
0x7e: {  	[tilespmem:v9+s26+$0x0] =	vst.idx.msk $0xffff, v2  }
0x7f: {  	[tilespmem:v8+s29+$0x0] =	vst.idx.msk $0xffff, v2  }
0x80: {  	v14 =	vld.idx.msk [tilespmem:v16+s31+$0x0], $0xffff  }
0x81: {  	v15 =	vld.idx.msk [tilespmem:v8+s29+$0x0], $0xffff  }
0x82: {  	v19 =	vld.idx.msk [tilespmem:v9+s26+$0x0], $0xffff  }
0x83: {  	v20 =	vld.idx.msk [tilespmem:v16+s30+$0x0], $0xffff;
	_ =	sdelay $0x1  }
0x84: {  	v21 =	vbroadcast v10, $0x0;
	v11 =	vld.idx.msk [tilespmem:v12+s25+$0x0], $0xffff  }
0x85: {  	v12 =	vld.idx.msk [tilespmem:v12+s24+$0x0], $0xffff  }
0x86: {  	vm2 =	veq.s32 v15, v2;
	vm4 =	vne.s32 v15, v2;
	v15 =	vmov s16;
	v10 =	vld.idx.msk [tilespmem:v13+s25+$0x0], $0xffff  }
0x87: {  	vm3 =	veq.s32 v19, v2;
	vm5 =	vne.s32 v19, v2;
	v13 =	vld.idx.msk [tilespmem:v13+s24+$0x0], $0xffff  }
0x88: {  	v14 =	vmax.bf16 v14, v17;
	v18 =	vmax.bf16 v20, v18;
	v17 =	vmpcnt.ones.xlane vm5  }
0x89: {  	[tilespmem:v16+s30+$0x0] =	vst.idx.msk vm1, v18;
	v18 =	vmpcnt.ones.xlane vm4  }
.Ltmp1:
0x8a: {  	[tilespmem:v16+s31+$0x0] =	vst.idx.msk vm1, v14;
	(pc) =	sbr.rel @p0 .LBB2_5-.Ltmp1, $4  }
0x8b: {  	[tilespmem:v21+s28+$0x0] =	vst.idx.msk $0x1, v17  }
0x8c: {  	[tilespmem:v15+s28+$0x0] =	vst.idx.msk $0x1, v18  }
0x8d: {  	v14 =	vld.idx.msk [tilespmem:v5+s30+$0x0], $0xffff  }
0x8e: {  	v15 =	vld.idx.msk [tilespmem:v5+s31+$0x0], $0xffff  }
0x8f: {  	_ =	sdelay $0x1  }
.Ltmp2:
0x90: {  	_ = 	snop;
	(pc) =	sbr.rel .LBB2_7-.Ltmp2, $4  }
0x91: {  	_ = 	snop  }
0x92: {  	v6 =	vmax.bf16 v14, v6  }
0x93: {  	v7 =	vmax.bf16 v15, v7;
	[tilespmem:v5+s30+$0x0] =	vst.idx.msk vm0, v6  }
0x94: {  	s4 =	simm.s32 $0x0;
	[tilespmem:v5+s31+$0x0] =	vst.idx.msk vm0, v7  }
.LBB2_13:
0x95: {  	s4 =	sadd.s32 $0x1, s4  }
0x96: {  	p0 =	sne.s32 s4, $0xD  }
.Ltmp3:
0x97: {  	_ = 	snop;
	(pc) =	sbr.rel @!p0 .LBB2_14-.Ltmp3, $1  }
0x98: {  	_ =	sdelay $0x3  }
.LBB2_7:
0x99: {  	s5 =	sshll.u32 s4, $0x4  }
0x9a: {  	v5 =	vld [tilespmem:s5+$0x1B8A0];
	_ =	sdelay $0x4  }
0x9b: {  	vm0 =	veq.s32 v5, $0x0  }
0x9c: {  	v5 =	vsel vm0, $0x0, v4  }
0x9d: {  	(xrf0) =	vmax.scan.msk.f32 $0xffff, v5;
	_ =	sdelay $0x5  }
0x9e: {  	v5, _, _ =	vpop (xrf0)  }
0x9f: {  	(v2sf) =	vpush v5, $0xF;
	_ =	sdelay $0xe  }
0xa0: {  	s6 =	spop (v2sf)  }
0xa1: {  	p0 =	sgt.f32 s6, $0.0e+00  }
.Ltmp4:
0xa2: {  	_ = 	snop;
	(pc) =	sbr.rel @!p0 .LBB2_13-.Ltmp4, $4  }
.Ltmp5:
0xa3: {  	_ = 	snop;
	(pc) =	sbr.rel @p0 .LBB2_8-.Ltmp5, $4  }
0xa4: {  	_ = 	snop  }
0xa5: {  	_ = 	snop  }
0xa6: {  	s16 =	simm.s32 $0x0  }
0xa7: {  	_ = 	snop  }
.LBB2_11:
0xa8: {  	_ =	sdelay $0x4  }
0xa9: {  	[tilespmem:v5+s31+$0x0] =	vst.idx.msk vm0, v9  }
.LBB2_12:
0xaa: {  	s16 =	sadd.s32 $0x1, s16  }
0xab: {  	p0 =	sne.s32 s16, $0x10  }
.Ltmp6:
0xac: {  	_ = 	snop;
	(pc) =	sbr.rel @!p0 .LBB2_13-.Ltmp6, $1  }
0xad: {  	_ =	sdelay $0x3  }
.LBB2_8:
0xae: {  	s6 =	sor.u32 s5, s16  }
0xaf: {  	v5 =	vld [tilespmem:s6+$0x1B8A0];
	_ =	sdelay $0x4  }
0xb0: {  	(v2sf) =	vpush v5, $0x0;
	_ =	sdelay $0xe  }
0xb1: {  	s17 =	spop (v2sf)  }
0xb2: {  	p0 =	seq.s32 s17, $0x0  }
0xb3: {  	s6 =	sshll.u32 @!p0 s6, $0x4  }
0xb4: {  	s6 =	sand.u32 @!p0 $0x3FFFFFF0, s6  }
0xb5: {  	v5 =	vld @!p0 [tilespmem:s6+$0x14500];
	_ =	sdelay $0x4  }
0xb6: {  	(xrf1) =	vunique.msk.u32 @!p0 $0xffff, v5;
	_ =	sdelay $0xd  }
0xb7: {  	_, v6, _ =	vpop @!p0 (xrf1)  }
0xb8: {  	v7 =	vxor.u32 @!p0 $0x80000000, v6  }
0xb9: {  	(xrf0) =	vmax.scan.msk.u32 @!p0 $0xffff, v7;
	_ =	sdelay $0x5  }
0xba: {  	v7, _, _ =	vpop @!p0 (xrf0)  }
0xbb: {  	(v2sf) =	vpush @!p0 v7, $0xF;
	_ =	sdelay $0xc  }
0xbc: {  	v8 =	vld @!p0 [tilespmem:s6+$0x13880];
	_ =	sdelay $0x1  }
0xbd: {  	s6 =	spop @!p0 (v2sf)  }
0xbe: {  	p1 =	sgt.s32 @!p0 s6, $0xFFFFFFFE  }
0xbf: {  	p1 =	por p0, p1  }
.Ltmp7:
0xc0: {  	_ = 	snop;
	(pc) =	sbr.rel @p1 .LBB2_12-.Ltmp7, $4  }
0xc1: {  	_ = 	snop  }
0xc2: {  	s17 =	simm.s32 @!p0 $0x9C40  }
0xc3: {  	v7 =	vld.idx.msk @!p0 [tilespmem:v8+s17+$0x0], $0xffff;
	s17 =	simm.s32 @!p0 $0xC350  }
0xc4: {  	v8 =	vld.idx.msk @!p0 [tilespmem:v8+s17+$0x0], $0xffff  }
0xc5: {  	_ =	sdelay $0x2  }
0xc6: {  	s17 =	simm.s32 $0x0;
	s6 =	sand.u32 $0x7FFFFFFF, s6  }
0xc7: {  	v9 =	vld.idx.msk [tilespmem:v5+s30+$0x0], $0xffff;
	vm0 =	veq.s32 v6, s17;
	s6 =	sadd.s32 $0x1, s6  }
0xc8: {  	v10 =	vld.idx.msk [tilespmem:v5+s31+$0x0], $0xffff;
	p0 =	sne.s32 s6, $0x1  }
.Ltmp8:
0xc9: {  	_ = 	snop;
	(pc) =	sbr.rel @!p0 .LBB2_11-.Ltmp8, $3  }
0xca: {  	_ =	sdelay $0x1  }
0xcb: {  	v11 =	vmax.bf16 v9, v7  }
0xcc: {  	s17 =	simm.s32 $0x1;
	v9 =	vmax.bf16 v10, v8;
	[tilespmem:v5+s30+$0x0] =	vst.idx.msk vm0, v11  }
.LBB2_10:
0xcd: {  	[tilespmem:v5+s31+$0x0] =	vst.idx.msk vm0, v9;
	s18 =	smov.u32 s17;
	s17 =	sadd.s32 $0x1, s17  }
0xce: {  	v9 =	vld.idx.msk [tilespmem:v5+s30+$0x0], $0xffff;
	p0 =	sne.s32 s6, s17  }
0xcf: {  	vm0 =	veq.s32 v6, s18;
	v10 =	vld.idx.msk [tilespmem:v5+s31+$0x0], $0xffff;
	_ =	sdelay $0x1  }
.Ltmp9:
0xd0: {  	(pc) =	sbr.rel @p0 .LBB2_10-.Ltmp9, $3  }
0xd1: {  	_ =	sdelay $0x1  }
0xd2: {  	v11 =	vmax.bf16 v9, v7  }
0xd3: {  	v9 =	vmax.bf16 v10, v8;
	[tilespmem:v5+s30+$0x0] =	vst.idx.msk vm0, v11  }
.Ltmp10:
0xd4: {  	_ = 	snop;
	(pc) =	sbr.rel .LBB2_11-.Ltmp10, $1  }
0xd5: {  	_ =	sdelay $0x3  }
.LBB2_14:
0xd6: {  	p0 =	seq.s32 s21, $0x31  }
0xd7: {  	s4 =	smul.u32 @!p0 $0x1900, s21;
	_ =	sdelay $0x1  }
0xd8: {  	s4 =	sshrl.u32 @!p0 s4, $0x3  }
0xd9: {  	s4 =	sadd.s32 @!p0 s3, s4  }
0xda: {  	s6 =	simm.s32 @!p0 $0x0;
	s16 =	simm.s32 @!p0 $0x13880;
	s5 =	sadd.s32 @!p0 $0x320, s4  }
0xdb: {  	[tilespmem:s16], [sflag:$0x1] =	stream.linear.gather @!p0 [hbm4b:s5+s6], $0xC80, $0x38;
	[tilespmem:$0x1B980] =	vst v63  }
0xdc: {  	s4 =	sadd.s32 @!p0 $0x9F60, s4;
	s5 =	simm.s32 @!p0 $0x14500  }
0xdd: {  	[tilespmem:s5], [sflag:$0x1] =	stream.linear.gather @!p0 [hbm4b:s4+s6], $0xC80, $0x38;
	[tilespmem:$0x1B980] =	vst v63  }
0xde: {  	_ =	swait.ge [sflag:s0], $0xC80  }
0xdf: {  	[sflag:s0] =	ssyncset.done $0x0  }
0xe0: {  	[sflag:s0] =	ssyncadd.s32 $0xFFFFF380  }
0xe1: {  	_ =	swait.ge [sflag:s0], $0xC80  }
0xe2: {  	[sflag:s0] =	ssyncset.done $0x0  }
0xe3: {  	[sflag:s0] =	ssyncadd.s32 $0xFFFFF380  }
0xe4: {  	v5 =	vld [tilespmem:$0x15180]  }
0xe5: {  	v14 =	vld [tilespmem:$0x15E00];
	_ =	sdelay $0x6  }
0xe6: {  	v13 =	vld.idx.msk [tilespmem:v5+s24+$0x0], $0xffff  }
0xe7: {  	v15 =	vld.idx.msk [tilespmem:v5+s25+$0x0], $0xffff;
	[tilespmem:v14+s26+$0x0] =	vst.idx.msk $0xffff, v2  }
0xe8: {  	v10 =	vld.idx.msk [tilespmem:v14+s26+$0x0], $0xffff;
	_ =	sdelay $0x4  }
0xe9: {  	vm0 =	vne.s32 v10, v2  }
0xea: {  	v5 =	vmpcnt.ones.xlane vm0;
	_ =	sdelay $0x1  }
0xeb: {  	[tilespmem:v0+s28+$0x0] =	vst.idx.msk $0x1, v5  }
0xec: {  	v7 =	vld [tilespmem:$0x15190]  }
0xed: {  	v5 =	vld [tilespmem:$0x15E10];
	_ =	sdelay $0x6  }
0xee: {  	v6 =	vld.idx.msk [tilespmem:v7+s24+$0x0], $0xffff  }
0xef: {  	v7 =	vld.idx.msk [tilespmem:v7+s25+$0x0], $0xffff;
	[tilespmem:v5+s29+$0x0] =	vst.idx.msk $0xffff, v2  }
0xf0: {  	v16 =	vld.idx.msk [tilespmem:v5+s29+$0x0], $0xffff;
	_ =	sdelay $0x4  }
0xf1: {  	vm0 =	vne.s32 v16, v2  }
0xf2: {  	s16 =	simm.s32 $0x1;
	v8 =	vmpcnt.ones.xlane vm0  }
0xf3: {  	s4 =	smin.u32 s16, $0x63  }
0xf4: {  	s5 =	sshllo.u32 s4, $0x1;
	s17 =	sshll.u32 s4, $0x5;
	[tilespmem:v3+s28+$0x0] =	vst.idx.msk $0x1, v8  }
0xf5: {  	s18 =	sshll.u32 s5, $0x4;
	v9 =	vld [tilespmem:s17+$0x15E00]  }
0xf6: {  	v8 =	vld [tilespmem:s18+$0x15E00];
	_ =	sdelay $0x4  }
0xf7: {  	v12 =	vld [tilespmem:s17+$0x15180];
	_ =	sdelay $0x1  }
0xf8: {  	v17 =	vld [tilespmem:s18+$0x15180];
	[tilespmem:v9+s26+$0x0] =	vst.idx.msk $0xffff, v2  }
0xf9: {  	[tilespmem:v8+s29+$0x0] =	vst.idx.msk $0xffff, v2  }
0xfa: {  	v18 =	vld.idx.msk [tilespmem:v14+s31+$0x0], $0xffff  }
0xfb: {  	vm0 =	veq.s32 v10, v2;
	v19 =	vld.idx.msk [tilespmem:v9+s26+$0x0], $0xffff  }
0xfc: {  	s4 =	sshll.u32 s4, $0x1;
	vm0 =	vmmov vm0;
	v20 =	vld.idx.msk [tilespmem:v14+s30+$0x0], $0xffff  }
0xfd: {  	v10 =	vmov s4;
	v21 =	vld.idx.msk [tilespmem:v8+s29+$0x0], $0xffff  }
0xfe: {  	v22 =	vbroadcast v10, $0x0;
	v11 =	vld.idx.msk [tilespmem:v12+s25+$0x0], $0xffff  }
0xff: {  	v12 =	vld.idx.msk [tilespmem:v12+s24+$0x0], $0xffff  }
0x100: {  	v23 =	vmov s5;
	v10 =	vld.idx.msk [tilespmem:v17+s25+$0x0], $0xffff  }
0x101: {  	v20 =	vmax.bf16 v20, v13;
	v13 =	vld.idx.msk [tilespmem:v17+s24+$0x0], $0xffff;
	vm1 =	vne.s32 v19, v2  }
0x102: {  	v15 =	vmax.bf16 v18, v15;
	vm2 =	vne.s32 v21, v2;
	[tilespmem:v14+s30+$0x0] =	vst.idx.msk vm0, v20;
	v17 =	vmpcnt.ones.xlane vm1  }
0x103: {  	[tilespmem:v14+s31+$0x0] =	vst.idx.msk vm0, v15;
	v14 =	vmpcnt.ones.xlane vm2  }
0x104: {  	[tilespmem:v22+s28+$0x0] =	vst.idx.msk $0x1, v17  }
0x105: {  	vm0 =	veq.s32 v16, v2;
	[tilespmem:v23+s28+$0x0] =	vst.idx.msk $0x1, v14  }
0x106: {  	vm0 =	vmmov vm0;
	v14 =	vld.idx.msk [tilespmem:v5+s30+$0x0], $0xffff  }
0x107: {  	s4 =	simm.s32 $0x2;
	vm3 =	veq.s32 v19, v2;
	vm2 =	veq.s32 v21, v2;
	v15 =	vld.idx.msk [tilespmem:v5+s31+$0x0], $0xffff  }
.LBB2_15:
0x108: {  	_ =	sdelay $0x1  }
0x109: {  	p1 =	sne.s32 s4, $0x64;
	v16 =	vmovc v9;
	v17 =	vmov v11;
	v18 =	vmov v12;
	vm1 =	vmmov vm3;
	s5 =	smov.u32 s4;
	s4 =	sadd.s32 $0x1, s4  }
0x10a: {  	v9 =	vmax.bf16 v14, v6;
	v6 =	vmov v13  }
0x10b: {  	s5 =	smin.u32 s5, $0x63;
	v11 =	vmax.bf16 v15, v7;
	[tilespmem:v5+s30+$0x0] =	vst.idx.msk vm0, v9;
	v7 =	vmov v10  }
0x10c: {  	s6 =	sshll.u32 s5, $0x1;
	s16 =	sshllo.u32 s5, $0x1;
	s5 =	sshll.u32 s5, $0x5;
	[tilespmem:v5+s31+$0x0] =	vst.idx.msk vm0, v11;
	v5 =	vmov v8;
	vm0 =	vmmov vm2  }
0x10d: {  	s17 =	sshll.u32 s16, $0x4;
	v10 =	vmov s6;
	v9 =	vld [tilespmem:s5+$0x15E00]  }
0x10e: {  	v8 =	vld [tilespmem:s17+$0x15E00];
	_ =	sdelay $0x4  }
0x10f: {  	v12 =	vld [tilespmem:s5+$0x15180]  }
0x110: {  	v13 =	vld [tilespmem:s17+$0x15180]  }
0x111: {  	[tilespmem:v9+s26+$0x0] =	vst.idx.msk $0xffff, v2  }
0x112: {  	[tilespmem:v8+s29+$0x0] =	vst.idx.msk $0xffff, v2  }
0x113: {  	v14 =	vld.idx.msk [tilespmem:v16+s31+$0x0], $0xffff  }
0x114: {  	v15 =	vld.idx.msk [tilespmem:v8+s29+$0x0], $0xffff  }
0x115: {  	v19 =	vld.idx.msk [tilespmem:v9+s26+$0x0], $0xffff  }
0x116: {  	v20 =	vld.idx.msk [tilespmem:v16+s30+$0x0], $0xffff;
	_ =	sdelay $0x1  }
0x117: {  	v21 =	vbroadcast v10, $0x0;
	v11 =	vld.idx.msk [tilespmem:v12+s25+$0x0], $0xffff  }
0x118: {  	v12 =	vld.idx.msk [tilespmem:v12+s24+$0x0], $0xffff  }
0x119: {  	vm2 =	veq.s32 v15, v2;
	vm4 =	vne.s32 v15, v2;
	v15 =	vmov s16;
	v10 =	vld.idx.msk [tilespmem:v13+s25+$0x0], $0xffff  }
0x11a: {  	vm3 =	veq.s32 v19, v2;
	vm5 =	vne.s32 v19, v2;
	v13 =	vld.idx.msk [tilespmem:v13+s24+$0x0], $0xffff  }
0x11b: {  	v14 =	vmax.bf16 v14, v17;
	v18 =	vmax.bf16 v20, v18;
	v17 =	vmpcnt.ones.xlane vm5  }
0x11c: {  	[tilespmem:v16+s30+$0x0] =	vst.idx.msk vm1, v18;
	v18 =	vmpcnt.ones.xlane vm4  }
.Ltmp11:
0x11d: {  	[tilespmem:v16+s31+$0x0] =	vst.idx.msk vm1, v14;
	(pc) =	sbr.rel @p1 .LBB2_15-.Ltmp11, $4  }
0x11e: {  	[tilespmem:v21+s28+$0x0] =	vst.idx.msk $0x1, v17  }
0x11f: {  	[tilespmem:v15+s28+$0x0] =	vst.idx.msk $0x1, v18  }
0x120: {  	v14 =	vld.idx.msk [tilespmem:v5+s30+$0x0], $0xffff  }
0x121: {  	v15 =	vld.idx.msk [tilespmem:v5+s31+$0x0], $0xffff  }
0x122: {  	_ =	sdelay $0x1  }
.Ltmp12:
0x123: {  	_ = 	snop;
	(pc) =	sbr.rel .LBB2_17-.Ltmp12, $4  }
0x124: {  	_ = 	snop  }
0x125: {  	v6 =	vmax.bf16 v14, v6  }
0x126: {  	v7 =	vmax.bf16 v15, v7;
	[tilespmem:v5+s30+$0x0] =	vst.idx.msk vm0, v6  }
0x127: {  	s4 =	simm.s32 $0x0;
	[tilespmem:v5+s31+$0x0] =	vst.idx.msk vm0, v7  }
.LBB2_23:
0x128: {  	s4 =	sadd.s32 $0x1, s4  }
0x129: {  	p1 =	sne.s32 s4, $0xD  }
.Ltmp13:
0x12a: {  	_ = 	snop;
	(pc) =	sbr.rel @!p1 .LBB2_24-.Ltmp13, $1  }
0x12b: {  	_ =	sdelay $0x3  }
.LBB2_17:
0x12c: {  	s5 =	sshll.u32 s4, $0x4  }
0x12d: {  	v5 =	vld [tilespmem:s5+$0x1B8A0];
	_ =	sdelay $0x4  }
0x12e: {  	vm0 =	veq.s32 v5, $0x0  }
0x12f: {  	v5 =	vsel vm0, $0x0, v4  }
0x130: {  	(xrf0) =	vmax.scan.msk.f32 $0xffff, v5;
	_ =	sdelay $0x5  }
0x131: {  	v5, _, _ =	vpop (xrf0)  }
0x132: {  	(v2sf) =	vpush v5, $0xF;
	_ =	sdelay $0xe  }
0x133: {  	s6 =	spop (v2sf)  }
0x134: {  	p1 =	sgt.f32 s6, $0.0e+00  }
.Ltmp14:
0x135: {  	_ = 	snop;
	(pc) =	sbr.rel @!p1 .LBB2_23-.Ltmp14, $4  }
.Ltmp15:
0x136: {  	_ = 	snop;
	(pc) =	sbr.rel @p1 .LBB2_18-.Ltmp15, $4  }
0x137: {  	_ = 	snop  }
0x138: {  	_ = 	snop  }
0x139: {  	s16 =	simm.s32 $0x0  }
0x13a: {  	_ = 	snop  }
.LBB2_21:
0x13b: {  	_ =	sdelay $0x4  }
0x13c: {  	[tilespmem:v5+s31+$0x0] =	vst.idx.msk vm0, v9  }
.LBB2_22:
0x13d: {  	s16 =	sadd.s32 $0x1, s16  }
0x13e: {  	p1 =	sne.s32 s16, $0x10  }
.Ltmp16:
0x13f: {  	_ = 	snop;
	(pc) =	sbr.rel @!p1 .LBB2_23-.Ltmp16, $1  }
0x140: {  	_ =	sdelay $0x3  }
.LBB2_18:
0x141: {  	s6 =	sor.u32 s5, s16  }
0x142: {  	v5 =	vld [tilespmem:s6+$0x1B8A0];
	_ =	sdelay $0x4  }
0x143: {  	(v2sf) =	vpush v5, $0x0;
	_ =	sdelay $0xe  }
0x144: {  	s17 =	spop (v2sf)  }
0x145: {  	p1 =	seq.s32 s17, $0x0  }
0x146: {  	s6 =	sshll.u32 @!p1 s6, $0x4  }
0x147: {  	s6 =	sand.u32 @!p1 $0x3FFFFFF0, s6  }
0x148: {  	v5 =	vld @!p1 [tilespmem:s6+$0x15E00];
	_ =	sdelay $0x4  }
0x149: {  	(xrf1) =	vunique.msk.u32 @!p1 $0xffff, v5;
	_ =	sdelay $0xd  }
0x14a: {  	_, v6, _ =	vpop @!p1 (xrf1)  }
0x14b: {  	v7 =	vxor.u32 @!p1 $0x80000000, v6  }
0x14c: {  	(xrf0) =	vmax.scan.msk.u32 @!p1 $0xffff, v7;
	_ =	sdelay $0x5  }
0x14d: {  	v7, _, _ =	vpop @!p1 (xrf0)  }
0x14e: {  	(v2sf) =	vpush @!p1 v7, $0xF;
	_ =	sdelay $0xc  }
0x14f: {  	v8 =	vld @!p1 [tilespmem:s6+$0x15180];
	_ =	sdelay $0x1  }
0x150: {  	s6 =	spop @!p1 (v2sf)  }
0x151: {  	p2 =	sgt.s32 @!p1 s6, $0xFFFFFFFE  }
0x152: {  	p2 =	por p1, p2  }
.Ltmp17:
0x153: {  	_ = 	snop;
	(pc) =	sbr.rel @p2 .LBB2_22-.Ltmp17, $4  }
0x154: {  	_ = 	snop  }
0x155: {  	s17 =	simm.s32 @!p1 $0x9C40  }
0x156: {  	v7 =	vld.idx.msk @!p1 [tilespmem:v8+s17+$0x0], $0xffff;
	s17 =	simm.s32 @!p1 $0xC350  }
0x157: {  	v8 =	vld.idx.msk @!p1 [tilespmem:v8+s17+$0x0], $0xffff  }
0x158: {  	_ =	sdelay $0x2  }
0x159: {  	s17 =	simm.s32 $0x0;
	s6 =	sand.u32 $0x7FFFFFFF, s6  }
0x15a: {  	v9 =	vld.idx.msk [tilespmem:v5+s30+$0x0], $0xffff;
	vm0 =	veq.s32 v6, s17;
	s6 =	sadd.s32 $0x1, s6  }
0x15b: {  	v10 =	vld.idx.msk [tilespmem:v5+s31+$0x0], $0xffff;
	p1 =	sne.s32 s6, $0x1  }
.Ltmp18:
0x15c: {  	_ = 	snop;
	(pc) =	sbr.rel @!p1 .LBB2_21-.Ltmp18, $3  }
0x15d: {  	_ =	sdelay $0x1  }
0x15e: {  	v11 =	vmax.bf16 v9, v7  }
0x15f: {  	s17 =	simm.s32 $0x1;
	v9 =	vmax.bf16 v10, v8;
	[tilespmem:v5+s30+$0x0] =	vst.idx.msk vm0, v11  }
.LBB2_20:
0x160: {  	[tilespmem:v5+s31+$0x0] =	vst.idx.msk vm0, v9;
	s18 =	smov.u32 s17;
	s17 =	sadd.s32 $0x1, s17  }
0x161: {  	v9 =	vld.idx.msk [tilespmem:v5+s30+$0x0], $0xffff;
	p1 =	sne.s32 s6, s17  }
0x162: {  	vm0 =	veq.s32 v6, s18;
	v10 =	vld.idx.msk [tilespmem:v5+s31+$0x0], $0xffff;
	_ =	sdelay $0x1  }
.Ltmp19:
0x163: {  	(pc) =	sbr.rel @p1 .LBB2_20-.Ltmp19, $3  }
0x164: {  	_ =	sdelay $0x1  }
0x165: {  	v11 =	vmax.bf16 v9, v7  }
0x166: {  	v9 =	vmax.bf16 v10, v8;
	[tilespmem:v5+s30+$0x0] =	vst.idx.msk vm0, v11  }
.Ltmp20:
0x167: {  	_ = 	snop;
	(pc) =	sbr.rel .LBB2_21-.Ltmp20, $1  }
0x168: {  	_ =	sdelay $0x3  }
.LBB2_24:
.Ltmp21:
0x169: {  	(pc) =	sbr.rel @p0 .LBB2_26-.Ltmp21, $1  }
0x16a: {  	_ =	sdelay $0x3  }
0x16b: {  	s4 =	smul.u32 $0x1900, s21;
	_ =	sdelay $0x1  }
0x16c: {  	s4 =	sshrl.u32 s4, $0x3  }
.Ltmp22:
0x16d: {  	s4 =	sadd.s32 s3, s4;
	(pc) =	sbr.rel .LBB2_4-.Ltmp22, $4  }
0x16e: {  	s5 =	sadd.s32 $0x4B0, s4  }
0x16f: {  	[tilespmem:s22], [sflag:$0x2] =	stream.linear.gather [hbm4b:s5+s2], $0xC80, $0x38;
	[tilespmem:$0x1B980] =	vst v63  }
0x170: {  	s21 =	sadd.s32 $0x1, s21;
	s4 =	sadd.s32 $0xA0F0, s4  }
0x171: {  	[tilespmem:s23], [sflag:$0x2] =	stream.linear.gather [hbm4b:s4+s2], $0xC80, $0x38;
	[tilespmem:$0x1B980] =	vst v63  }
.LBB2_26:
0x172: {  	s5 =	simm.s32 $0x0  }
0x173: {  	v7 =	vld [tilespmem:s5+$0x11170]  }
0x174: {  	v6 =	vld [tilespmem:s5+$0xEA60];
	_ =	sdelay $0x3  }
0x175: {  	s4 =	simm.s32 $0x10;
	v8 =	vunpack.i.u.bf16.f32 v7  }
0x176: {  	v5 =	vld [tilespmem:s4+$0x11170];
	v9 =	vunpack.i.l.bf16.f32 v6;
	vm0 =	veq.f32 v8, $-Inf  }
0x177: {  	v10 =	vunpack.i.u.bf16.f32 v6;
	v6 =	vld [tilespmem:s4+$0xEA60];
	vm1 =	veq.f32 v9, $-Inf;
	v8 =	vsel vm0, $0x0, v8  }
0x178: {  	v7 =	vunpack.i.l.bf16.f32 v7;
	vm14 =	veq.f32 v10, $-Inf;
	v9 =	vsel vm1, $0x0, v9;
	[tilespmem:s5+$0x7530] =	vst v8  }
0x179: {  	vm15 =	veq.f32 v7, $-Inf;
	v8 =	vsel vm14, $0x0, v10;
	[tilespmem:s5+$0x0] =	vst v9  }
0x17a: {  	s16 =	simm.s32 $0x80;
	v7 =	vsel vm15, $0x0, v7;
	[tilespmem:s5+$0x2710] =	vst v8  }
.LBB2_27:
0x17b: {  	s6 =	sshra.s32 s16, $0x2;
	p0 =	sne.s32 s16, $0x9C00;
	s16 =	sadd.s32 $0x40, s16;
	v8 =	vunpack.i.u.bf16.f32 v5;
	v9 =	vunpack.i.l.bf16.f32 v5;
	[tilespmem:s5+$0x4E20] =	vst v7  }
.Ltmp23:
0x17c: {  	s5 =	smov.u32 s4;
	v5 =	vld [tilespmem:s6+$0x11170];
	v7 =	vunpack.i.u.bf16.f32 v6;
	v10 =	vunpack.i.l.bf16.f32 v6;
	vm0 =	veq.f32 v8, $-Inf;
	s4 =	smov.u32 s6;
	(pc) =	sbr.rel @p0 .LBB2_27-.Ltmp23, $4  }
0x17d: {  	v6 =	vld [tilespmem:s4+$0xEA60];
	vm1 =	veq.f32 v10, $-Inf;
	vm2 =	veq.f32 v7, $-Inf;
	v8 =	vsel vm0, $0x0, v8  }
0x17e: {  	vm0 =	veq.f32 v9, $-Inf;
	v10 =	vsel vm1, $0x0, v10;
	v11 =	vsel vm2, $0x0, v7;
	[tilespmem:s5+$0x7530] =	vst v8  }
0x17f: {  	v7 =	vsel vm0, $0x0, v9;
	[tilespmem:s5+$0x0] =	vst v10  }
0x180: {  	[tilespmem:s5+$0x2710] =	vst v11  }
0x181: {  	v8 =	vunpack.i.u.bf16.f32 v5  }
0x182: {  	v5 =	vunpack.i.l.bf16.f32 v5;
	vm0 =	veq.f32 v8, $-Inf  }
0x183: {  	[tilespmem:s5+$0x4E20] =	vst v7;
	v9 =	vunpack.i.l.bf16.f32 v6;
	vm15 =	veq.f32 v5, $-Inf;
	v7 =	vsel vm0, $0x0, v8  }
0x184: {  	v6 =	vunpack.i.u.bf16.f32 v6;
	vm1 =	veq.f32 v9, $-Inf;
	v5 =	vsel vm15, $0x0, v5;
	[tilespmem:s4+$0x7530] =	vst v7  }
0x185: {  	vm14 =	veq.f32 v6, $-Inf;
	v63 =	vsel vm1, $0x0, v9;
	[tilespmem:s4+$0x4E20] =	vst v5  }
0x186: {  	v6 =	vsel vm14, $0x0, v6;
	[tilespmem:s4+$0x0] =	vst v63  }
0x187: {  	[tilespmem:s4+$0x2710] =	vst v6  }
0x188: {  	[hbm4b:s11+s2] =	stream.linear.scatter [tilespmem:s2], [sflag:$0x3], $0x2710, $0x38;
	[tilespmem:$0x1B980] =	vst v63  }
0x189: {  	_ =	swait.ge [sflag:s1], $0x2710  }
0x18a: {  	[sflag:s1] =	ssyncset.done $0x0  }
0x18b: {  	s5 =	simm.s32 $0x2710;
	[sflag:s1] =	ssyncadd.s32 $0xFFFFD8F0  }
0x18c: {  	[hbm4b:s12+s2] =	stream.linear.scatter [tilespmem:s5], [sflag:$0x3], $0x2710, $0x38;
	[tilespmem:$0x1B980] =	vst v63  }
0x18d: {  	_ =	swait.ge [sflag:s1], $0x2710  }
0x18e: {  	[sflag:s1] =	ssyncset.done $0x0  }
0x18f: {  	s6 =	simm.s32 $0x4E20;
	[sflag:s1] =	ssyncadd.s32 $0xFFFFD8F0  }
0x190: {  	[hbm4b:s13+s2] =	stream.linear.scatter [tilespmem:s6], [sflag:$0x3], $0x2710, $0x38;
	[tilespmem:$0x1B980] =	vst v63  }
0x191: {  	s20 =	sadd.s32 $0x1, s20;
	_ =	swait.ge [sflag:s1], $0x2710  }
0x192: {  	p0 =	sne.s32 s20, s15;
	[sflag:s1] =	ssyncset.done $0x0  }
.Ltmp24:
0x193: {  	s16 =	simm.s32 $0x7530;
	[sflag:s1] =	ssyncadd.s32 $0xFFFFD8F0;
	(pc) =	sbr.rel @p0 .LBB2_1-.Ltmp24, $4  }
0x194: {  	[hbm4b:s14+s2] =	stream.linear.scatter [tilespmem:s16], [sflag:$0x3], $0x2710, $0x38;
	[tilespmem:$0x1B980] =	vst v63  }
0x195: {  	_ =	swait.ge [sflag:s1], $0x2710  }
0x196: {  	[sflag:s1] =	ssyncset.done $0x0  }
0x197: {  	[sflag:s1] =	ssyncadd.s32 $0xFFFFD8F0  }
0x198: {  	_ =	sfence.sel $0x180000  }
0x199: {  	[bflag:$0x0] =	sbarrier.arrive $0xFFFF  }
0x19a: {  	_ =	strace $0x90000047  }
0x19b: {  	s0 =	stileid.u32;
	[bflag:$0x2] =	sbarrier.arrive $0xFFFF  }
0x19c: {  	p0 =	sne.s32 s0, $0x0;
	s0 =	rddreg [dreg:$0x1]  }
0x19d: {  	s0 =	sadd.s32 @!p0 $0x100000, s0  }
0x19e: {  	[sflag:s0] =	ssyncadd.tile.s32 @!p0 $0x1;
	_ =	shalt  }
.Lfunc_end2:
_tile_overlayer_lowered:
.L_overlay_start_2:
0x19f: {  	(tag) =	ssettag $0x2  }
0x1a0: {  	s0 =	rddreg [dreg:$0x0];
	s2 =	stileid.u32  }
0x1a1: {  	s1 =	rddreg [dreg:$0x1];
	p0 =	sne.s32 s2, $0x0  }
0x1a2: {  	s3 =	rddreg [dreg:$0x2];
	[bflag:$0x3] =	sbarrier.arrive $0xFFFF;
	s2 =	simm.s32 @!p0 $0x1C03  }
0x1a3: {  	[timem:s3], [sflag:s2] =	dma.local @!p0 [hbm:s0], s1  }
0x1a4: {  	s0 =	simm.s32 @!p0 $0x3  }
0x1a5: {  	_ =	swait.ge @!p0 [sflag:s0], s1  }
0x1a6: {  	s1 =	ssub.s32 @!p0 $0x0, s1;
	[sflag:s0] =	ssyncset.done @!p0 $0x0  }
0x1a7: {  	[sflag:s0] =	ssyncadd.s32 @!p0 s1  }
0x1a8: {  	[bflag:$0x3] =	sbarrier.arrive $0xFFFF  }
0x1a9: {  	_ =	shalt  }

</sc_bundles>
